<compile_context>
chip_gen: v7x
topology: tpu7x:2x2x1
jax: 0.10.2.dev20260603
libtpu: 0.0.44.dev20260713+nightly
codegen_flags: <defaults>
</compile_context>

<pallas_src>
import functools

import jax
import jax.numpy as jnp
from jax import lax
from jax.experimental import pallas as pl
from jax.experimental.pallas import tpu as pltpu
from jax.experimental.pallas import tpu_sc as plsc

N = 10000
E = 160000
NHID = 256
NCLASS = 128

NC = 2
NS = 16
L = 16

HALF = NHID // 2
CH1 = 80
STEPS1 = E // NS // CH1
CH2 = 40
STEPS2 = E // (NC * NS) // CH2
CPR = 624
TAIL = N - NS * CPR

_mesh = plsc.VectorSubcoreMesh(core_axis_name="c", subcore_axis_name="s")
_f32 = jnp.float32
_i32 = jnp.int32


def _slab_copy(src, dst, s, src_base, dst_base):
    so = pl.multiple_of(src_base + s * CPR, 8)
    do = pl.multiple_of(dst_base + s * CPR, 8)
    pltpu.sync_copy(src.at[pl.ds(so, CPR)], dst.at[pl.ds(do, CPR)])

    @pl.when(s == 0)
    def _():
        pltpu.sync_copy(src.at[pl.ds(src_base + NS * CPR, TAIL)],
                        dst.at[pl.ds(dst_base + NS * CPR, TAIL)])


@functools.partial(
    pl.kernel,
    out_type=jax.ShapeDtypeStruct((NC, N), _f32),
    mesh=_mesh,
    scratch_types=[
        pltpu.VMEM((STEPS2, CH2), _i32),
        pltpu.VMEM((48,), _f32),
        pltpu.VMEM_SHARED((N,), _f32),
    ],
)
def _deg_kernel(row_hbm, z1_hbm, deg_hbm, rbuf, ones_v, acc):
    c = lax.axis_index("c")
    s = lax.axis_index("s")
    w = c * NS + s

    for j in range(3):
        ones_v[pl.ds(j * L, L)] = jnp.full((L,), 1.0, _f32)

    @pl.when(s == 0)
    def _():
        pltpu.sync_copy(z1_hbm, acc)
    plsc.subcore_barrier()

    pltpu.sync_copy(row_hbm.at[w], rbuf)

    def step(i, carry):
        pltpu.sync_copy(ones_v.at[pl.ds(0, CH2)], acc.at[rbuf.at[i]],
                        add=True)
        return carry
    lax.fori_loop(0, STEPS2, step, 0)

    plsc.subcore_barrier()

    @pl.when(s == 0)
    def _():
        pltpu.sync_copy(acc, deg_hbm.at[c])


@functools.partial(
    pl.kernel,
    out_type=jax.ShapeDtypeStruct((NC * N, HALF), _f32),
    mesh=_mesh,
    scratch_types=[
        pltpu.VMEM((STEPS1, CH1), _i32),
        pltpu.VMEM((STEPS1 * CH1,), _i32),
        pltpu.VMEM((2, CH1 * L), _f32),
        pltpu.VMEM((2, CH1, HALF), _f32),
        pltpu.VMEM_SHARED((N, HALF), _f32),
        pltpu.SemaphoreType.DMA,
        pltpu.SemaphoreType.DMA,
    ],
)
def _agg1_kernel(row_hbm, col_hbm, ew_hbm, p_hbm, za_hbm, out_hbm,
                 rowb, colb, ewb, gbuf, acc, sem0, sem1):
    c = lax.axis_index("c")
    s = lax.axis_index("s")
    sems = (sem0, sem1)

    _slab_copy(za_hbm, acc, s, 0, 0)
    pltpu.sync_copy(row_hbm.at[s], rowb)
    pltpu.sync_copy(col_hbm.at[c].at[s], colb)
    plsc.subcore_barrier()

    def issue(i, b):
        pltpu.async_copy(ew_hbm.at[s].at[i], ewb.at[b], sems[b])
        pltpu.async_copy(p_hbm.at[colb.at[pl.ds(i * CH1, CH1)]],
                         gbuf.at[b], sems[b])

    def process(i, b):
        pltpu.make_async_copy(ew_hbm.at[s].at[0], ewb.at[b], sems[b]).wait()
        pltpu.make_async_copy(za_hbm.at[pl.ds(0, CH1)], gbuf.at[b],
                              sems[b]).wait()

        def scale(m, carry2):
            for u in range(2):
                k = m * 2 + u
                ewk = ewb[b, pl.ds(k * L, L)]
                for j in range(HALF // L):
                    gbuf[b, k, pl.ds(j * L, L)] = (
                        gbuf[b, k, pl.ds(j * L, L)] * ewk)
            return carry2

        pass

    issue(0, 0)

    def pair(t, carry):
        i_odd = 1 + 2 * t
        issue(i_odd, 1)
        process(i_odd - 1, 0)
        issue(i_odd + 1, 0)
        process(i_odd, 1)
        return carry
    lax.fori_loop(0, (STEPS1 - 1) // 2, pair, 0)
    process(STEPS1 - 1, 0)

    plsc.subcore_barrier()
    _slab_copy(acc, out_hbm, s, 0, c * N)


@functools.partial(
    pl.kernel,
    out_type=jax.ShapeDtypeStruct((NC * N, NCLASS), _f32),
    mesh=_mesh,
    scratch_types=[
        pltpu.VMEM((STEPS2, CH2), _i32),
        pltpu.VMEM((STEPS2 * CH2,), _i32),
        pltpu.VMEM((2, CH2 * L), _f32),
        pltpu.VMEM((2, CH2, NCLASS), _f32),
        pltpu.VMEM_SHARED((N, NCLASS), _f32),
        pltpu.SemaphoreType.DMA,
        pltpu.SemaphoreType.DMA,
    ],
)
def _agg2_kernel(row_hbm, col_hbm, ew_hbm, q_hbm, za_hbm, out_hbm,
                 rowb, colb, ewb, gbuf, acc, sem0, sem1):
    c = lax.axis_index("c")
    s = lax.axis_index("s")
    w = c * NS + s
    sems = (sem0, sem1)

    _slab_copy(za_hbm, acc, s, 0, 0)
    pltpu.sync_copy(row_hbm.at[w], rowb)
    pltpu.sync_copy(col_hbm.at[w], colb)
    plsc.subcore_barrier()

    def issue(i, b):
        pltpu.async_copy(ew_hbm.at[w].at[i], ewb.at[b], sems[b])
        pltpu.async_copy(q_hbm.at[colb.at[pl.ds(i * CH2, CH2)]],
                         gbuf.at[b], sems[b])

    def process(i, b):
        pltpu.make_async_copy(ew_hbm.at[w].at[0], ewb.at[b], sems[b]).wait()
        pltpu.make_async_copy(za_hbm.at[pl.ds(0, CH2)], gbuf.at[b],
                              sems[b]).wait()

        def scale(m, carry2):
            for u in range(2):
                k = m * 2 + u
                ewk = ewb[b, pl.ds(k * L, L)]
                for j in range(NCLASS // L):
                    gbuf[b, k, pl.ds(j * L, L)] = (
                        gbuf[b, k, pl.ds(j * L, L)] * ewk)
            return carry2

        pass

    issue(0, 0)

    def pair(t, carry):
        i_odd = 1 + 2 * t
        issue(i_odd, 1)
        process(i_odd - 1, 0)
        issue(i_odd + 1, 0)
        process(i_odd, 1)
        return carry
    lax.fori_loop(0, (STEPS2 - 1) // 2, pair, 0)
    process(STEPS2 - 1, 0)

    plsc.subcore_barrier()
    _slab_copy(acc, out_hbm, s, 0, c * N)


_BM = 400


def _tc_b_body(x_ref, w_ref, dega_ref, degb_ref, p_ref, dinv_ref):
    dinv = lax.rsqrt(dega_ref[0] + degb_ref[0] + 1.0)
    h = jnp.dot(x_ref[...], w_ref[...], preferred_element_type=_f32)
    p_ref[0] = h * dinv
    dinv_ref[...] = dinv


def _tc_b(x, W1, deg2):
    return pl.pallas_call(
        _tc_b_body,
        grid=(NC, N // _BM),
        in_specs=[
            pl.BlockSpec((_BM, NHID), lambda j, i: (i, 0)),
            pl.BlockSpec((NHID, HALF), lambda j, i: (0, j)),
            pl.BlockSpec((1, _BM, 1), lambda j, i: (0, i, 0)),
            pl.BlockSpec((1, _BM, 1), lambda j, i: (1, i, 0)),
        ],
        out_specs=[
            pl.BlockSpec((1, _BM, HALF), lambda j, i: (j, i, 0)),
            pl.BlockSpec((_BM, 1), lambda j, i: (i, 0)),
        ],
        out_shape=[
            jax.ShapeDtypeStruct((NC, N, HALF), _f32),
            jax.ShapeDtypeStruct((N, 1), _f32),
        ],
    )(x, W1, deg2, deg2)


def _tc_d_body(ca_ref, cb_ref, pa_ref, pb_ref, dinv_ref, b1_ref, w2_ref,
               q_ref):
    dinv = dinv_ref[...]
    b1 = b1_ref[...]
    h1a = jnp.maximum((ca_ref[0] + pa_ref[0]) * dinv + b1[:, :HALF], 0.0)
    h1b = jnp.maximum((cb_ref[0] + pb_ref[0]) * dinv + b1[:, HALF:], 0.0)
    w2 = w2_ref[...]
    q = (jnp.dot(h1a, w2[:HALF, :], preferred_element_type=_f32) +
         jnp.dot(h1b, w2[HALF:, :], preferred_element_type=_f32))
    q_ref[...] = q * dinv


def _tc_d(c2, p2, dinv, b1, W2):
    return pl.pallas_call(
        _tc_d_body,
        grid=(N // _BM,),
        in_specs=[
            pl.BlockSpec((1, _BM, HALF), lambda i: (0, i, 0)),
            pl.BlockSpec((1, _BM, HALF), lambda i: (1, i, 0)),
            pl.BlockSpec((1, _BM, HALF), lambda i: (0, i, 0)),
            pl.BlockSpec((1, _BM, HALF), lambda i: (1, i, 0)),
            pl.BlockSpec((_BM, 1), lambda i: (i, 0)),
            pl.BlockSpec((1, NHID), lambda i: (0, 0)),
            pl.BlockSpec((NHID, NCLASS), lambda i: (0, 0)),
        ],
        out_specs=pl.BlockSpec((_BM, NCLASS), lambda i: (i, 0)),
        out_shape=jax.ShapeDtypeStruct((N, NCLASS), _f32),
    )(c2, c2, p2, p2, dinv, b1, W2)


def _tc_f_body(ea_ref, eb_ref, q_ref, dinv_ref, b2_ref, o_ref):
    h2 = ((ea_ref[0] + eb_ref[0] + q_ref[...]) * dinv_ref[...]
          + b2_ref[...])
    nrm = jnp.sqrt(jnp.sum(h2 * h2, axis=1, keepdims=True))
    o_ref[...] = h2 / jnp.maximum(nrm, 1e-12)


def _tc_f(e2, q, dinv, b2):
    return pl.pallas_call(
        _tc_f_body,
        grid=(N // _BM,),
        in_specs=[
            pl.BlockSpec((1, _BM, NCLASS), lambda i: (0, i, 0)),
            pl.BlockSpec((1, _BM, NCLASS), lambda i: (1, i, 0)),
            pl.BlockSpec((_BM, NCLASS), lambda i: (i, 0)),
            pl.BlockSpec((_BM, 1), lambda i: (i, 0)),
            pl.BlockSpec((1, NCLASS), lambda i: (0, 0)),
        ],
        out_specs=pl.BlockSpec((_BM, NCLASS), lambda i: (i, 0)),
        out_shape=jax.ShapeDtypeStruct((N, NCLASS), _f32),
    )(e2, e2, q, dinv, b2)


def kernel(x, edge_index, edge_weight, W1, b1, W2, b2):
    row = edge_index[0]
    col = edge_index[1]
    row1 = row.reshape(NS, STEPS1, CH1)
    col1s = jnp.stack([col, col + N]).reshape(NC, NS, STEPS1 * CH1)
    row2 = row.reshape(NC * NS, STEPS2, CH2)
    col2 = col.reshape(NC * NS, STEPS2 * CH2)
    ewx = jnp.broadcast_to(edge_weight[:, None], (E, L))
    ew1 = ewx.reshape(NS, STEPS1, CH1 * L)
    ew2 = ewx.reshape(NC * NS, STEPS2, CH2 * L)
    z1 = jnp.zeros((N,), _f32)
    za = jnp.zeros((N, HALF), _f32)

    deg2 = _deg_kernel(row2, z1).reshape(NC, N, 1)
    p2, dinv = _tc_b(x, W1, deg2)
    pflat = p2.reshape(NC * N, HALF)
    c2 = _agg1_kernel(row1, col1s, ew1, pflat, za).reshape(NC, N, HALF)
    q = _tc_d(c2, p2, dinv, b1.reshape(1, NHID), W2)
    e2 = _agg2_kernel(row2, col2, ew2, q, za).reshape(NC, N, NCLASS)
    return _tc_f(e2, q, dinv, b2.reshape(1, NCLASS))

# --- scband reference (transcript-rebuilt; emitter-appended) ---
"""Pipeline reference for scband-gcn-58506044506610 (READ-ONLY COPY).

The authoritative reference and input builder live on the scoring server;
editing this copy changes nothing except your own understanding.
"""

import jax, jax.numpy as jnp
import numpy as np

N = 10000
E = 160000
NFEAT = 256
NHID = 256
NCLASS = 128


def setup_inputs(seed: int = 0) -> dict:
    key = jax.random.key(seed)
    ks = jax.random.split(key, 7)
    x = jax.random.normal(ks[0], (N, NFEAT), dtype=jnp.float32)
    edge_index = jax.random.randint(ks[1], (2, E), 0, N, dtype=jnp.int32)
    edge_weight = jax.random.uniform(ks[2], (E,), dtype=jnp.float32)
    W1 = jax.random.normal(ks[3], (NFEAT, NHID), dtype=jnp.float32) * (1.0 / np.sqrt(NFEAT))
    b1 = jnp.zeros((NHID,), dtype=jnp.float32)
    W2 = jax.random.normal(ks[4], (NHID, NCLASS), dtype=jnp.float32) * (1.0 / np.sqrt(NHID))
    b2 = jnp.zeros((NCLASS,), dtype=jnp.float32)
    return {"x": x, "edge_index": edge_index, "edge_weight": edge_weight,
            "W1": W1, "b1": b1, "W2": W2, "b2": b2}


def _gcn_conv(x, edge_index, edge_weight, W, b):
    n = x.shape[0]
    loop = jnp.arange(n, dtype=edge_index.dtype)
    ei = jnp.concatenate([edge_index, jnp.stack([loop, loop], axis=0)], axis=1)
    ew = jnp.concatenate([edge_weight, jnp.ones((n,), dtype=edge_weight.dtype)], axis=0)
    h = x @ W
    row, col = ei[0], ei[1]
    deg = jnp.zeros((n,), dtype=h.dtype).at[row].add(1.0)
    deg_inv_sqrt = jnp.where(deg > 0, 1.0 / jnp.sqrt(jnp.where(deg > 0, deg, 1.0)), 0.0)
    norm_weight = deg_inv_sqrt[row] * ew * deg_inv_sqrt[col]
    msg = norm_weight[:, None] * h[col]
    out = jnp.zeros_like(h).at[row].add(msg)
    out = out + b
    return out


def reference(x, edge_index, edge_weight, W1, b1, W2, b2):
    # GCN.forward in eval mode (dropout is identity when not training)
    h = jax.nn.relu(_gcn_conv(x, edge_index, edge_weight, W1, b1))
    h = _gcn_conv(h, edge_index, edge_weight, W2, b2)
    nrm = jnp.linalg.norm(h, ord=2, axis=-1, keepdims=True)
    return h / jnp.maximum(nrm, 1e-12)

if __name__ == "__main__":
    import jax
    _d = setup_inputs()
    print(jax.jit(kernel)(*tuple(_d.values())))

</pallas_src>

<mosaic_0001>
#map = affine_map<(d0, d1) -> (0, 0, 0)>
#map1 = affine_map<(d0, d1) -> (0)>
#map2 = affine_map<(d0, d1) -> (0, 0)>
module attributes {stable_mosaic.version = 14 : i64} {
  func.func @_deg_kernel(%arg0: i32, %arg1: i32, %arg2: memref<32x125x40xi32, #tpu.memory_space<hbm>>, %arg3: memref<10000xf32, #tpu.memory_space<hbm>>, %arg4: memref<2x10000xf32, #tpu.memory_space<hbm>>, %arg5: memref<125x40xi32, #tpu.memory_space<vmem>>, %arg6: memref<48xf32, #tpu.memory_space<vmem>>, %arg7: memref<10000xf32, #tpu.memory_space<vmem_shared>>) attributes {dimension_semantics = [#tpu.dimension_semantics<core_parallel>, #tpu.dimension_semantics<subcore_parallel>], iteration_bounds = array<i64: 2, 16>, scalar_prefetch = 0 : i64, scratch_operands = 3 : i64, tpu.core_type = #tpu.core_type<sc_vector_subcore>, window_params = [{transform_indices = #map}, {transform_indices = #map1}, {transform_indices = #map2}]} {
    %mul3A = arith.constant 16 : i32
    %mul3A_0 = arith.muli %arg0, %mul3A : i32
    %add3A = arith.addi %mul3A_0, %arg1 : i32
    %broadcast_in_dim3A = arith.constant 1.000000e+00 : f32
    %broadcast_in_dim3A_1 = vector.broadcast %broadcast_in_dim3A : f32 to vector<16xf32>
    %swap3A = arith.constant 0 : index
    %swap3A_2 = tpu.vector_load %arg6[%swap3A] {strides = array<i32>} : memref<48xf32, #tpu.memory_space<vmem>>, vector<16xf32>,
    %swap3A_3 = vector.shape_cast %swap3A_2 : vector<16xf32> to vector<16xf32>
    %swap3A_4 = vector.shape_cast %broadcast_in_dim3A_1 : vector<16xf32> to vector<16xf32>
    tpu.vector_store %arg6[%swap3A], %swap3A_4 {strides = array<i32>} : memref<48xf32, #tpu.memory_space<vmem>>, vector<16xf32>,
    %broadcast_in_dim3A_5 = arith.constant 1.000000e+00 : f32
    %broadcast_in_dim3A_6 = vector.broadcast %broadcast_in_dim3A_5 : f32 to vector<16xf32>
    %swap3A_7 = arith.constant 16 : index
    %swap3A_8 = tpu.vector_load %arg6[%swap3A_7] {strides = array<i32>} : memref<48xf32, #tpu.memory_space<vmem>>, vector<16xf32>,
    %swap3A_9 = vector.shape_cast %swap3A_8 : vector<16xf32> to vector<16xf32>
    %swap3A_10 = vector.shape_cast %broadcast_in_dim3A_6 : vector<16xf32> to vector<16xf32>
    tpu.vector_store %arg6[%swap3A_7], %swap3A_10 {strides = array<i32>} : memref<48xf32, #tpu.memory_space<vmem>>, vector<16xf32>,
    %broadcast_in_dim3A_11 = arith.constant 1.000000e+00 : f32
    %broadcast_in_dim3A_12 = vector.broadcast %broadcast_in_dim3A_11 : f32 to vector<16xf32>
    %swap3A_13 = arith.constant 32 : index
    %swap3A_14 = tpu.vector_load %arg6[%swap3A_13] {strides = array<i32>} : memref<48xf32, #tpu.memory_space<vmem>>, vector<16xf32>,
    %swap3A_15 = vector.shape_cast %swap3A_14 : vector<16xf32> to vector<16xf32>
    %swap3A_16 = vector.shape_cast %broadcast_in_dim3A_12 : vector<16xf32> to vector<16xf32>
    tpu.vector_store %arg6[%swap3A_13], %swap3A_16 {strides = array<i32>} : memref<48xf32, #tpu.memory_space<vmem>>, vector<16xf32>,
    %eq3A = arith.constant 0 : i32
    %eq3A_17 = arith.cmpi eq, %arg1, %eq3A : i32
    %convert_element_type3A = arith.extui %eq3A_17 : i1 to i32
    %cond3A = arith.constant 0 : i32
    %cond3A_18 = arith.cmpi ne, %convert_element_type3A, %cond3A : i32
    scf.if %cond3A_18 {
      "tpu.region"() ({
        %run_scoped3A = tpu.sem_alloc : memref<!tpu.dma_semaphore, #tpu.memory_space<semaphore_mem>>
        tpu.enqueue_dma source(%arg3 : memref<10000xf32, #tpu.memory_space<hbm>>) target(%arg7 : memref<10000xf32, #tpu.memory_space<vmem_shared>>) target_semaphore(%run_scoped3A : memref<!tpu.dma_semaphore, #tpu.memory_space<semaphore_mem>>)
        tpu.wait_dma2 semaphore(%run_scoped3A : memref<!tpu.dma_semaphore, #tpu.memory_space<semaphore_mem>>) src(%arg3 : memref<10000xf32, #tpu.memory_space<hbm>>) dst(%arg7 : memref<10000xf32, #tpu.memory_space<vmem_shared>>)
        tpu.yield
      }) : () -> ()
    } else {
    }
    %barrier3A = arith.constant 0 : index
    tpu.barrier barrier_id(%barrier3A)
    "tpu.region"() ({
      %run_scoped3A = tpu.sem_alloc : memref<!tpu.dma_semaphore, #tpu.memory_space<semaphore_mem>>
      %dma_start3A = arith.constant 0 : i32
      %dma_start3A_30 = arith.constant 0 : i32
      %dma_start3A_31 = tpu.memref_slice %arg2[%add3A, %dma_start3A, %dma_start3A_30] : memref<32x125x40xi32, #tpu.memory_space<hbm>> -> memref<1x125x40xi32, #tpu.memory_space<hbm>>
      %dma_start3A_32 = tpu.memref_squeeze %dma_start3A_31 : memref<1x125x40xi32, #tpu.memory_space<hbm>> -> memref<125x40xi32, #tpu.memory_space<hbm>>
      %dma_start3A_33 = arith.constant 0 : i32
      %dma_start3A_34 = arith.constant 0 : i32
      %dma_start3A_35 = tpu.memref_slice %arg2[%add3A, %dma_start3A_33, %dma_start3A_34] : memref<32x125x40xi32, #tpu.memory_space<hbm>> -> memref<1x125x40xi32, #tpu.memory_space<hbm>>
      %dma_start3A_36 = tpu.memref_squeeze %dma_start3A_35 : memref<1x125x40xi32, #tpu.memory_space<hbm>> -> memref<125x40xi32, #tpu.memory_space<hbm>>
      tpu.enqueue_dma source(%dma_start3A_36 : memref<125x40xi32, #tpu.memory_space<hbm>>) target(%arg5 : memref<125x40xi32, #tpu.memory_space<vmem>>) target_semaphore(%run_scoped3A : memref<!tpu.dma_semaphore, #tpu.memory_space<semaphore_mem>>)
      %dma_wait3A = arith.constant 0 : i32
      %dma_wait3A_37 = arith.constant 0 : i32
      %dma_wait3A_38 = tpu.memref_slice %arg2[%add3A, %dma_wait3A, %dma_wait3A_37] : memref<32x125x40xi32, #tpu.memory_space<hbm>> -> memref<1x125x40xi32, #tpu.memory_space<hbm>>
      %dma_wait3A_39 = tpu.memref_squeeze %dma_wait3A_38 : memref<1x125x40xi32, #tpu.memory_space<hbm>> -> memref<125x40xi32, #tpu.memory_space<hbm>>
      %dma_wait3A_40 = arith.constant 0 : i32
      %dma_wait3A_41 = arith.constant 0 : i32
      %dma_wait3A_42 = tpu.memref_slice %arg2[%add3A, %dma_wait3A_40, %dma_wait3A_41] : memref<32x125x40xi32, #tpu.memory_space<hbm>> -> memref<1x125x40xi32, #tpu.memory_space<hbm>>
      %dma_wait3A_43 = tpu.memref_squeeze %dma_wait3A_42 : memref<1x125x40xi32, #tpu.memory_space<hbm>> -> memref<125x40xi32, #tpu.memory_space<hbm>>
      tpu.wait_dma2 semaphore(%run_scoped3A : memref<!tpu.dma_semaphore, #tpu.memory_space<semaphore_mem>>) src(%dma_wait3A_43 : memref<125x40xi32, #tpu.memory_space<hbm>>) dst(%arg5 : memref<125x40xi32, #tpu.memory_space<vmem>>)
      tpu.yield
    }) : () -> ()
    %scan3A = arith.constant 0 : i32
    %scan3A_19 = arith.constant 0 : i32
    %scan3A_20 = arith.constant 125 : i32
    %scan3A_21 = arith.addi %scan3A_19, %scan3A_20 : i32
    %scan3A_22 = arith.constant 1 : i32
    scf.for %scan3A_30 = %scan3A_19 to %scan3A_21 step %scan3A_22  : i32 {
      "tpu.region"() ({
        %run_scoped3A = tpu.sem_alloc : memref<!tpu.dma_semaphore, #tpu.memory_space<semaphore_mem>>
        %dma_start3A = arith.constant 0 : i32
        %dma_start3A_31 = tpu.memref_slice %arg6[%dma_start3A] : memref<48xf32, #tpu.memory_space<vmem>> -> memref<40xf32, #tpu.memory_space<vmem>>
        %dma_start3A_32 = arith.constant 0 : i32
        %dma_start3A_33 = tpu.memref_slice %arg5[%scan3A_30, %dma_start3A_32] : memref<125x40xi32, #tpu.memory_space<vmem>> -> memref<1x40xi32, #tpu.memory_space<vmem>>
        %dma_start3A_34 = tpu.memref_squeeze %dma_start3A_33 : memref<1x40xi32, #tpu.memory_space<vmem>> -> memref<40xi32, #tpu.memory_space<vmem>>
        %dma_start3A_35 = arith.constant 0 : i32
        %dma_start3A_36 = tpu.memref_slice %arg7[%dma_start3A_35] : memref<10000xf32, #tpu.memory_space<vmem_shared>> -> memref<10000xf32, #tpu.memory_space<vmem_shared>>
        tpu.enqueue_indirect_dma source(%dma_start3A_31 : memref<40xf32, #tpu.memory_space<vmem>>) target(%dma_start3A_36 : memref<10000xf32, #tpu.memory_space<vmem_shared>>) offsets(%dma_start3A_34 : memref<40xi32, #tpu.memory_space<vmem>>) semaphore(%run_scoped3A : memref<!tpu.dma_semaphore, #tpu.memory_space<semaphore_mem>>) {add = true}
        %dma_wait3A = arith.constant 0 : i32
        %dma_wait3A_37 = tpu.memref_slice %arg6[%dma_wait3A] : memref<48xf32, #tpu.memory_space<vmem>> -> memref<40xf32, #tpu.memory_space<vmem>>
        %dma_wait3A_38 = arith.constant 0 : i32
        %dma_wait3A_39 = tpu.memref_slice %arg5[%scan3A_30, %dma_wait3A_38] : memref<125x40xi32, #tpu.memory_space<vmem>> -> memref<1x40xi32, #tpu.memory_space<vmem>>
        %dma_wait3A_40 = tpu.memref_squeeze %dma_wait3A_39 : memref<1x40xi32, #tpu.memory_space<vmem>> -> memref<40xi32, #tpu.memory_space<vmem>>
        %dma_wait3A_41 = arith.constant 0 : i32
        %dma_wait3A_42 = tpu.memref_slice %arg7[%dma_wait3A_41] : memref<10000xf32, #tpu.memory_space<vmem_shared>> -> memref<10000xf32, #tpu.memory_space<vmem_shared>>
        tpu.wait_indirect_dma semaphore(%run_scoped3A : memref<!tpu.dma_semaphore, #tpu.memory_space<semaphore_mem>>) src(%dma_wait3A_37 : memref<40xf32, #tpu.memory_space<vmem>>) dst(%dma_wait3A_42 : memref<10000xf32, #tpu.memory_space<vmem_shared>>)
        tpu.yield
      }) : () -> ()
    }
    %scan3A_23 = arith.constant 125 : i32
    %barrier3A_24 = arith.constant 0 : index
    tpu.barrier barrier_id(%barrier3A_24)
    %eq3A_25 = arith.constant 0 : i32
    %eq3A_26 = arith.cmpi eq, %arg1, %eq3A_25 : i32
    %convert_element_type3A_27 = arith.extui %eq3A_26 : i1 to i32
    %cond3A_28 = arith.constant 0 : i32
    %cond3A_29 = arith.cmpi ne, %convert_element_type3A_27, %cond3A_28 : i32
    scf.if %cond3A_29 {
      "tpu.region"() ({
        %run_scoped3A = tpu.sem_alloc : memref<!tpu.dma_semaphore, #tpu.memory_space<semaphore_mem>>
        %dma_start3A = arith.constant 0 : i32
        %dma_start3A_30 = tpu.memref_slice %arg4[%arg0, %dma_start3A] : memref<2x10000xf32, #tpu.memory_space<hbm>> -> memref<1x10000xf32, #tpu.memory_space<hbm>>
        %dma_start3A_31 = tpu.memref_squeeze %dma_start3A_30 : memref<1x10000xf32, #tpu.memory_space<hbm>> -> memref<10000xf32, #tpu.memory_space<hbm>>
        tpu.enqueue_dma source(%arg7 : memref<10000xf32, #tpu.memory_space<vmem_shared>>) target(%dma_start3A_31 : memref<10000xf32, #tpu.memory_space<hbm>>) target_semaphore(%run_scoped3A : memref<!tpu.dma_semaphore, #tpu.memory_space<semaphore_mem>>)
        %dma_wait3A = arith.constant 0 : i32
        %dma_wait3A_32 = tpu.memref_slice %arg4[%arg0, %dma_wait3A] : memref<2x10000xf32, #tpu.memory_space<hbm>> -> memref<1x10000xf32, #tpu.memory_space<hbm>>
        %dma_wait3A_33 = tpu.memref_squeeze %dma_wait3A_32 : memref<1x10000xf32, #tpu.memory_space<hbm>> -> memref<10000xf32, #tpu.memory_space<hbm>>
        tpu.wait_dma2 semaphore(%run_scoped3A : memref<!tpu.dma_semaphore, #tpu.memory_space<semaphore_mem>>) src(%arg7 : memref<10000xf32, #tpu.memory_space<vmem_shared>>) dst(%dma_wait3A_33 : memref<10000xf32, #tpu.memory_space<hbm>>)
        tpu.yield
      }) : () -> ()
    } else {
    }
    return
  }
}

#map = affine_map<(d0, d1) -> (0, 0, 0)>
#map1 = affine_map<(d0, d1) -> (0, 0)>
module attributes {stable_mosaic.version = 14 : i64} {
  func.func @_agg1_kernel(%arg0: i32, %arg1: i32, %arg2: memref<16x125x80xi32, #tpu.memory_space<hbm>>, %arg3: memref<2x16x10000xi32, #tpu.memory_space<hbm>>, %arg4: memref<16x125x1280xf32, #tpu.memory_space<hbm>>, %arg5: memref<20000x128xf32, #tpu.memory_space<hbm>>, %arg6: memref<10000x128xf32, #tpu.memory_space<hbm>>, %arg7: memref<20000x128xf32, #tpu.memory_space<hbm>>, %arg8: memref<125x80xi32, #tpu.memory_space<vmem>>, %arg9: memref<10000xi32, #tpu.memory_space<vmem>>, %arg10: memref<2x1280xf32, #tpu.memory_space<vmem>>, %arg11: memref<2x80x128xf32, #tpu.memory_space<vmem>>, %arg12: memref<10000x128xf32, #tpu.memory_space<vmem_shared>>, %arg13: memref<!tpu.dma_semaphore, #tpu.memory_space<semaphore_mem>>, %arg14: memref<!tpu.dma_semaphore, #tpu.memory_space<semaphore_mem>>) attributes {dimension_semantics = [#tpu.dimension_semantics<core_parallel>, #tpu.dimension_semantics<subcore_parallel>], iteration_bounds = array<i64: 2, 16>, scalar_prefetch = 0 : i64, scratch_operands = 7 : i64, tpu.core_type = #tpu.core_type<sc_vector_subcore>, window_params = [{transform_indices = #map}, {transform_indices = #map}, {transform_indices = #map}, {transform_indices = #map1}, {transform_indices = #map1}, {transform_indices = #map1}]} {
    %mul3A = arith.constant 624 : i32
    %mul3A_0 = arith.muli %arg1, %mul3A : i32
    %add3A = arith.constant 0 : i32
    %add3A_1 = arith.addi %add3A, %mul3A_0 : i32
    %multiple_of3A = tpu.assume_multiple %add3A_1, 8 : i32
    %mul3A_2 = arith.constant 624 : i32
    %mul3A_3 = arith.muli %arg1, %mul3A_2 : i32
    %add3A_4 = arith.constant 0 : i32
    %add3A_5 = arith.addi %add3A_4, %mul3A_3 : i32
    %multiple_of3A_6 = tpu.assume_multiple %add3A_5, 8 : i32
    "tpu.region"() ({
      %run_scoped3A = tpu.sem_alloc : memref<!tpu.dma_semaphore, #tpu.memory_space<semaphore_mem>>
      %dma_start3A_98 = arith.constant 0 : i32
      %dma_start3A_99 = tpu.memref_slice %arg12[%multiple_of3A_6, %dma_start3A_98] : memref<10000x128xf32, #tpu.memory_space<vmem_shared>> -> memref<624x128xf32, #tpu.memory_space<vmem_shared>>
      %dma_start3A_100 = arith.constant 0 : i32
      %dma_start3A_101 = tpu.memref_slice %arg6[%multiple_of3A, %dma_start3A_100] : memref<10000x128xf32, #tpu.memory_space<hbm>> -> memref<624x128xf32, #tpu.memory_space<hbm>>
      tpu.enqueue_dma source(%dma_start3A_101 : memref<624x128xf32, #tpu.memory_space<hbm>>) target(%dma_start3A_99 : memref<624x128xf32, #tpu.memory_space<vmem_shared>>) target_semaphore(%run_scoped3A : memref<!tpu.dma_semaphore, #tpu.memory_space<semaphore_mem>>)
      %dma_wait3A_102 = arith.constant 0 : i32
      %dma_wait3A_103 = tpu.memref_slice %arg12[%multiple_of3A_6, %dma_wait3A_102] : memref<10000x128xf32, #tpu.memory_space<vmem_shared>> -> memref<624x128xf32, #tpu.memory_space<vmem_shared>>
      %dma_wait3A_104 = arith.constant 0 : i32
      %dma_wait3A_105 = tpu.memref_slice %arg6[%multiple_of3A, %dma_wait3A_104] : memref<10000x128xf32, #tpu.memory_space<hbm>> -> memref<624x128xf32, #tpu.memory_space<hbm>>
      tpu.wait_dma2 semaphore(%run_scoped3A : memref<!tpu.dma_semaphore, #tpu.memory_space<semaphore_mem>>) src(%dma_wait3A_105 : memref<624x128xf32, #tpu.memory_space<hbm>>) dst(%dma_wait3A_103 : memref<624x128xf32, #tpu.memory_space<vmem_shared>>)
      tpu.yield
    }) : () -> ()
    %eq3A = arith.constant 0 : i32
    %eq3A_7 = arith.cmpi eq, %arg1, %eq3A : i32
    %convert_element_type3A = arith.extui %eq3A_7 : i1 to i32
    %cond3A = arith.constant 0 : i32
    %cond3A_8 = arith.cmpi ne, %convert_element_type3A, %cond3A : i32
    scf.if %cond3A_8 {
      "tpu.region"() ({
        %run_scoped3A = tpu.sem_alloc : memref<!tpu.dma_semaphore, #tpu.memory_space<semaphore_mem>>
        %dma_start3A_98 = arith.constant 9984 : i32
        %dma_start3A_99 = arith.constant 0 : i32
        %dma_start3A_100 = tpu.memref_slice %arg12[%dma_start3A_98, %dma_start3A_99] : memref<10000x128xf32, #tpu.memory_space<vmem_shared>> -> memref<16x128xf32, #tpu.memory_space<vmem_shared>>
        %dma_start3A_101 = arith.constant 9984 : i32
        %dma_start3A_102 = arith.constant 0 : i32
        %dma_start3A_103 = tpu.memref_slice %arg6[%dma_start3A_101, %dma_start3A_102] : memref<10000x128xf32, #tpu.memory_space<hbm>> -> memref<16x128xf32, #tpu.memory_space<hbm>>
        tpu.enqueue_dma source(%dma_start3A_103 : memref<16x128xf32, #tpu.memory_space<hbm>>) target(%dma_start3A_100 : memref<16x128xf32, #tpu.memory_space<vmem_shared>>) target_semaphore(%run_scoped3A : memref<!tpu.dma_semaphore, #tpu.memory_space<semaphore_mem>>)
        %dma_wait3A_104 = arith.constant 9984 : i32
        %dma_wait3A_105 = arith.constant 0 : i32
        %dma_wait3A_106 = tpu.memref_slice %arg12[%dma_wait3A_104, %dma_wait3A_105] : memref<10000x128xf32, #tpu.memory_space<vmem_shared>> -> memref<16x128xf32, #tpu.memory_space<vmem_shared>>
        %dma_wait3A_107 = arith.constant 9984 : i32
        %dma_wait3A_108 = arith.constant 0 : i32
        %dma_wait3A_109 = tpu.memref_slice %arg6[%dma_wait3A_107, %dma_wait3A_108] : memref<10000x128xf32, #tpu.memory_space<hbm>> -> memref<16x128xf32, #tpu.memory_space<hbm>>
        tpu.wait_dma2 semaphore(%run_scoped3A : memref<!tpu.dma_semaphore, #tpu.memory_space<semaphore_mem>>) src(%dma_wait3A_109 : memref<16x128xf32, #tpu.memory_space<hbm>>) dst(%dma_wait3A_106 : memref<16x128xf32, #tpu.memory_space<vmem_shared>>)
        tpu.yield
      }) : () -> ()
    } else {
    }
    "tpu.region"() ({
      %run_scoped3A = tpu.sem_alloc : memref<!tpu.dma_semaphore, #tpu.memory_space<semaphore_mem>>
      %dma_start3A_98 = arith.constant 0 : i32
      %dma_start3A_99 = arith.constant 0 : i32
      %dma_start3A_100 = tpu.memref_slice %arg2[%arg1, %dma_start3A_98, %dma_start3A_99] : memref<16x125x80xi32, #tpu.memory_space<hbm>> -> memref<1x125x80xi32, #tpu.memory_space<hbm>>
      %dma_start3A_101 = tpu.memref_squeeze %dma_start3A_100 : memref<1x125x80xi32, #tpu.memory_space<hbm>> -> memref<125x80xi32, #tpu.memory_space<hbm>>
      %dma_start3A_102 = arith.constant 0 : i32
      %dma_start3A_103 = arith.constant 0 : i32
      %dma_start3A_104 = tpu.memref_slice %arg2[%arg1, %dma_start3A_102, %dma_start3A_103] : memref<16x125x80xi32, #tpu.memory_space<hbm>> -> memref<1x125x80xi32, #tpu.memory_space<hbm>>
      %dma_start3A_105 = tpu.memref_squeeze %dma_start3A_104 : memref<1x125x80xi32, #tpu.memory_space<hbm>> -> memref<125x80xi32, #tpu.memory_space<hbm>>
      tpu.enqueue_dma source(%dma_start3A_105 : memref<125x80xi32, #tpu.memory_space<hbm>>) target(%arg8 : memref<125x80xi32, #tpu.memory_space<vmem>>) target_semaphore(%run_scoped3A : memref<!tpu.dma_semaphore, #tpu.memory_space<semaphore_mem>>)
      %dma_wait3A_106 = arith.constant 0 : i32
      %dma_wait3A_107 = arith.constant 0 : i32
      %dma_wait3A_108 = tpu.memref_slice %arg2[%arg1, %dma_wait3A_106, %dma_wait3A_107] : memref<16x125x80xi32, #tpu.memory_space<hbm>> -> memref<1x125x80xi32, #tpu.memory_space<hbm>>
      %dma_wait3A_109 = tpu.memref_squeeze %dma_wait3A_108 : memref<1x125x80xi32, #tpu.memory_space<hbm>> -> memref<125x80xi32, #tpu.memory_space<hbm>>
      %dma_wait3A_110 = arith.constant 0 : i32
      %dma_wait3A_111 = arith.constant 0 : i32
      %dma_wait3A_112 = tpu.memref_slice %arg2[%arg1, %dma_wait3A_110, %dma_wait3A_111] : memref<16x125x80xi32, #tpu.memory_space<hbm>> -> memref<1x125x80xi32, #tpu.memory_space<hbm>>
      %dma_wait3A_113 = tpu.memref_squeeze %dma_wait3A_112 : memref<1x125x80xi32, #tpu.memory_space<hbm>> -> memref<125x80xi32, #tpu.memory_space<hbm>>
      tpu.wait_dma2 semaphore(%run_scoped3A : memref<!tpu.dma_semaphore, #tpu.memory_space<semaphore_mem>>) src(%dma_wait3A_113 : memref<125x80xi32, #tpu.memory_space<hbm>>) dst(%arg8 : memref<125x80xi32, #tpu.memory_space<vmem>>)
      tpu.yield
    }) : () -> ()
    "tpu.region"() ({
      %run_scoped3A = tpu.sem_alloc : memref<!tpu.dma_semaphore, #tpu.memory_space<semaphore_mem>>
      %dma_start3A_98 = arith.constant 0 : i32
      %dma_start3A_99 = arith.constant 0 : i32
      %dma_start3A_100 = tpu.memref_slice %arg3[%arg0, %dma_start3A_98, %dma_start3A_99] : memref<2x16x10000xi32, #tpu.memory_space<hbm>> -> memref<1x16x10000xi32, #tpu.memory_space<hbm>>
      %dma_start3A_101 = tpu.memref_squeeze %dma_start3A_100 : memref<1x16x10000xi32, #tpu.memory_space<hbm>> -> memref<16x10000xi32, #tpu.memory_space<hbm>>
      %dma_start3A_102 = arith.constant 0 : i32
      %dma_start3A_103 = tpu.memref_slice %dma_start3A_101[%arg1, %dma_start3A_102] : memref<16x10000xi32, #tpu.memory_space<hbm>> -> memref<1x10000xi32, #tpu.memory_space<hbm>>
      %dma_start3A_104 = tpu.memref_squeeze %dma_start3A_103 : memref<1x10000xi32, #tpu.memory_space<hbm>> -> memref<10000xi32, #tpu.memory_space<hbm>>
      %dma_start3A_105 = arith.constant 0 : i32
      %dma_start3A_106 = arith.constant 0 : i32
      %dma_start3A_107 = tpu.memref_slice %arg3[%arg0, %dma_start3A_105, %dma_start3A_106] : memref<2x16x10000xi32, #tpu.memory_space<hbm>> -> memref<1x16x10000xi32, #tpu.memory_space<hbm>>
      %dma_start3A_108 = tpu.memref_squeeze %dma_start3A_107 : memref<1x16x10000xi32, #tpu.memory_space<hbm>> -> memref<16x10000xi32, #tpu.memory_space<hbm>>
      %dma_start3A_109 = arith.constant 0 : i32
      %dma_start3A_110 = tpu.memref_slice %dma_start3A_108[%arg1, %dma_start3A_109] : memref<16x10000xi32, #tpu.memory_space<hbm>> -> memref<1x10000xi32, #tpu.memory_space<hbm>>
      %dma_start3A_111 = tpu.memref_squeeze %dma_start3A_110 : memref<1x10000xi32, #tpu.memory_space<hbm>> -> memref<10000xi32, #tpu.memory_space<hbm>>
      tpu.enqueue_dma source(%dma_start3A_111 : memref<10000xi32, #tpu.memory_space<hbm>>) target(%arg9 : memref<10000xi32, #tpu.memory_space<vmem>>) target_semaphore(%run_scoped3A : memref<!tpu.dma_semaphore, #tpu.memory_space<semaphore_mem>>)
      %dma_wait3A_112 = arith.constant 0 : i32
      %dma_wait3A_113 = arith.constant 0 : i32
      %dma_wait3A_114 = tpu.memref_slice %arg3[%arg0, %dma_wait3A_112, %dma_wait3A_113] : memref<2x16x10000xi32, #tpu.memory_space<hbm>> -> memref<1x16x10000xi32, #tpu.memory_space<hbm>>
      %dma_wait3A_115 = tpu.memref_squeeze %dma_wait3A_114 : memref<1x16x10000xi32, #tpu.memory_space<hbm>> -> memref<16x10000xi32, #tpu.memory_space<hbm>>
      %dma_wait3A_116 = arith.constant 0 : i32
      %dma_wait3A_117 = tpu.memref_slice %dma_wait3A_115[%arg1, %dma_wait3A_116] : memref<16x10000xi32, #tpu.memory_space<hbm>> -> memref<1x10000xi32, #tpu.memory_space<hbm>>
      %dma_wait3A_118 = tpu.memref_squeeze %dma_wait3A_117 : memref<1x10000xi32, #tpu.memory_space<hbm>> -> memref<10000xi32, #tpu.memory_space<hbm>>
      %dma_wait3A_119 = arith.constant 0 : i32
      %dma_wait3A_120 = arith.constant 0 : i32
      %dma_wait3A_121 = tpu.memref_slice %arg3[%arg0, %dma_wait3A_119, %dma_wait3A_120] : memref<2x16x10000xi32, #tpu.memory_space<hbm>> -> memref<1x16x10000xi32, #tpu.memory_space<hbm>>
      %dma_wait3A_122 = tpu.memref_squeeze %dma_wait3A_121 : memref<1x16x10000xi32, #tpu.memory_space<hbm>> -> memref<16x10000xi32, #tpu.memory_space<hbm>>
      %dma_wait3A_123 = arith.constant 0 : i32
      %dma_wait3A_124 = tpu.memref_slice %dma_wait3A_122[%arg1, %dma_wait3A_123] : memref<16x10000xi32, #tpu.memory_space<hbm>> -> memref<1x10000xi32, #tpu.memory_space<hbm>>
      %dma_wait3A_125 = tpu.memref_squeeze %dma_wait3A_124 : memref<1x10000xi32, #tpu.memory_space<hbm>> -> memref<10000xi32, #tpu.memory_space<hbm>>
      tpu.wait_dma2 semaphore(%run_scoped3A : memref<!tpu.dma_semaphore, #tpu.memory_space<semaphore_mem>>) src(%dma_wait3A_125 : memref<10000xi32, #tpu.memory_space<hbm>>) dst(%arg9 : memref<10000xi32, #tpu.memory_space<vmem>>)
      tpu.yield
    }) : () -> ()
    %barrier3A = arith.constant 0 : index
    tpu.barrier barrier_id(%barrier3A)
    %dma_start3A = arith.constant 0 : i32
    %dma_start3A_9 = arith.constant 0 : i32
    %dma_start3A_10 = arith.constant 0 : i32
    %dma_start3A_11 = tpu.memref_slice %arg10[%dma_start3A_9, %dma_start3A_10] : memref<2x1280xf32, #tpu.memory_space<vmem>> -> memref<1x1280xf32, #tpu.memory_space<vmem>>
    %dma_start3A_12 = tpu.memref_squeeze %dma_start3A_11 : memref<1x1280xf32, #tpu.memory_space<vmem>> -> memref<1280xf32, #tpu.memory_space<vmem>>
    %dma_start3A_13 = arith.constant 0 : i32
    %dma_start3A_14 = arith.constant 0 : i32
    %dma_start3A_15 = tpu.memref_slice %arg4[%arg1, %dma_start3A_13, %dma_start3A_14] : memref<16x125x1280xf32, #tpu.memory_space<hbm>> -> memref<1x125x1280xf32, #tpu.memory_space<hbm>>
    %dma_start3A_16 = tpu.memref_squeeze %dma_start3A_15 : memref<1x125x1280xf32, #tpu.memory_space<hbm>> -> memref<125x1280xf32, #tpu.memory_space<hbm>>
    %dma_start3A_17 = arith.constant 0 : i32
    %dma_start3A_18 = tpu.memref_slice %dma_start3A_16[%dma_start3A, %dma_start3A_17] : memref<125x1280xf32, #tpu.memory_space<hbm>> -> memref<1x1280xf32, #tpu.memory_space<hbm>>
    %dma_start3A_19 = tpu.memref_squeeze %dma_start3A_18 : memref<1x1280xf32, #tpu.memory_space<hbm>> -> memref<1280xf32, #tpu.memory_space<hbm>>
    %dma_start3A_20 = arith.constant 0 : i32
    %dma_start3A_21 = tpu.memref_slice %arg10[%dma_start3A_9, %dma_start3A_20] : memref<2x1280xf32, #tpu.memory_space<vmem>> -> memref<1x1280xf32, #tpu.memory_space<vmem>>
    %dma_start3A_22 = tpu.memref_squeeze %dma_start3A_21 : memref<1x1280xf32, #tpu.memory_space<vmem>> -> memref<1280xf32, #tpu.memory_space<vmem>>
    %dma_start3A_23 = arith.constant 0 : i32
    %dma_start3A_24 = arith.constant 0 : i32
    %dma_start3A_25 = tpu.memref_slice %arg4[%arg1, %dma_start3A_23, %dma_start3A_24] : memref<16x125x1280xf32, #tpu.memory_space<hbm>> -> memref<1x125x1280xf32, #tpu.memory_space<hbm>>
    %dma_start3A_26 = tpu.memref_squeeze %dma_start3A_25 : memref<1x125x1280xf32, #tpu.memory_space<hbm>> -> memref<125x1280xf32, #tpu.memory_space<hbm>>
    %dma_start3A_27 = arith.constant 0 : i32
    %dma_start3A_28 = tpu.memref_slice %dma_start3A_26[%dma_start3A, %dma_start3A_27] : memref<125x1280xf32, #tpu.memory_space<hbm>> -> memref<1x1280xf32, #tpu.memory_space<hbm>>
    %dma_start3A_29 = tpu.memref_squeeze %dma_start3A_28 : memref<1x1280xf32, #tpu.memory_space<hbm>> -> memref<1280xf32, #tpu.memory_space<hbm>>
    tpu.enqueue_dma source(%dma_start3A_29 : memref<1280xf32, #tpu.memory_space<hbm>>) target(%dma_start3A_22 : memref<1280xf32, #tpu.memory_space<vmem>>) target_semaphore(%arg13 : memref<!tpu.dma_semaphore, #tpu.memory_space<semaphore_mem>>)
    %dma_start3A_30 = arith.constant 0 : i32
    %dma_start3A_31 = arith.constant 0 : i32
    %dma_start3A_32 = arith.constant 0 : i32
    %dma_start3A_33 = tpu.memref_slice %arg11[%dma_start3A_30, %dma_start3A_31, %dma_start3A_32] : memref<2x80x128xf32, #tpu.memory_space<vmem>> -> memref<1x80x128xf32, #tpu.memory_space<vmem>>
    %dma_start3A_34 = tpu.memref_squeeze %dma_start3A_33 : memref<1x80x128xf32, #tpu.memory_space<vmem>> -> memref<80x128xf32, #tpu.memory_space<vmem>>
    %dma_start3A_35 = arith.constant 0 : i32
    %dma_start3A_36 = tpu.memref_slice %arg9[%dma_start3A_35] : memref<10000xi32, #tpu.memory_space<vmem>> -> memref<80xi32, #tpu.memory_space<vmem>>
    %dma_start3A_37 = arith.constant 0 : i32
    %dma_start3A_38 = arith.constant 0 : i32
    %dma_start3A_39 = tpu.memref_slice %arg5[%dma_start3A_37, %dma_start3A_38] : memref<20000x128xf32, #tpu.memory_space<hbm>> -> memref<20000x128xf32, #tpu.memory_space<hbm>>
    tpu.enqueue_indirect_dma source(%dma_start3A_39 : memref<20000x128xf32, #tpu.memory_space<hbm>>) target(%dma_start3A_34 : memref<80x128xf32, #tpu.memory_space<vmem>>) offsets(%dma_start3A_36 : memref<80xi32, #tpu.memory_space<vmem>>) semaphore(%arg13 : memref<!tpu.dma_semaphore, #tpu.memory_space<semaphore_mem>>)
    %scan3A = arith.constant 0 : i32
    %scan3A_40 = arith.constant 0 : i32
    %scan3A_41 = arith.constant 62 : i32
    %scan3A_42 = arith.addi %scan3A_40, %scan3A_41 : i32
    %scan3A_43 = arith.constant 1 : i32
    scf.for %scan3A_98 = %scan3A_40 to %scan3A_42 step %scan3A_43  : i32 {
      %mul3A_99 = arith.constant 2 : i32
      %mul3A_100 = arith.muli %mul3A_99, %scan3A_98 : i32
      %add3A_101 = arith.constant 1 : i32
      %add3A_102 = arith.addi %add3A_101, %mul3A_100 : i32
      %dma_start3A_103 = arith.constant 1 : i32
      %dma_start3A_104 = arith.constant 0 : i32
      %dma_start3A_105 = tpu.memref_slice %arg10[%dma_start3A_103, %dma_start3A_104] : memref<2x1280xf32, #tpu.memory_space<vmem>> -> memref<1x1280xf32, #tpu.memory_space<vmem>>
      %dma_start3A_106 = tpu.memref_squeeze %dma_start3A_105 : memref<1x1280xf32, #tpu.memory_space<vmem>> -> memref<1280xf32, #tpu.memory_space<vmem>>
      %dma_start3A_107 = arith.constant 0 : i32
      %dma_start3A_108 = arith.constant 0 : i32
      %dma_start3A_109 = tpu.memref_slice %arg4[%arg1, %dma_start3A_107, %dma_start3A_108] : memref<16x125x1280xf32, #tpu.memory_space<hbm>> -> memref<1x125x1280xf32, #tpu.memory_space<hbm>>
      %dma_start3A_110 = tpu.memref_squeeze %dma_start3A_109 : memref<1x125x1280xf32, #tpu.memory_space<hbm>> -> memref<125x1280xf32, #tpu.memory_space<hbm>>
      %dma_start3A_111 = arith.constant 0 : i32
      %dma_start3A_112 = tpu.memref_slice %dma_start3A_110[%add3A_102, %dma_start3A_111] : memref<125x1280xf32, #tpu.memory_space<hbm>> -> memref<1x1280xf32, #tpu.memory_space<hbm>>
      %dma_start3A_113 = tpu.memref_squeeze %dma_start3A_112 : memref<1x1280xf32, #tpu.memory_space<hbm>> -> memref<1280xf32, #tpu.memory_space<hbm>>
      %dma_start3A_114 = arith.constant 0 : i32
      %dma_start3A_115 = tpu.memref_slice %arg10[%dma_start3A_103, %dma_start3A_114] : memref<2x1280xf32, #tpu.memory_space<vmem>> -> memref<1x1280xf32, #tpu.memory_space<vmem>>
      %dma_start3A_116 = tpu.memref_squeeze %dma_start3A_115 : memref<1x1280xf32, #tpu.memory_space<vmem>> -> memref<1280xf32, #tpu.memory_space<vmem>>
      %dma_start3A_117 = arith.constant 0 : i32
      %dma_start3A_118 = arith.constant 0 : i32
      %dma_start3A_119 = tpu.memref_slice %arg4[%arg1, %dma_start3A_117, %dma_start3A_118] : memref<16x125x1280xf32, #tpu.memory_space<hbm>> -> memref<1x125x1280xf32, #tpu.memory_space<hbm>>
      %dma_start3A_120 = tpu.memref_squeeze %dma_start3A_119 : memref<1x125x1280xf32, #tpu.memory_space<hbm>> -> memref<125x1280xf32, #tpu.memory_space<hbm>>
      %dma_start3A_121 = arith.constant 0 : i32
      %dma_start3A_122 = tpu.memref_slice %dma_start3A_120[%add3A_102, %dma_start3A_121] : memref<125x1280xf32, #tpu.memory_space<hbm>> -> memref<1x1280xf32, #tpu.memory_space<hbm>>
      %dma_start3A_123 = tpu.memref_squeeze %dma_start3A_122 : memref<1x1280xf32, #tpu.memory_space<hbm>> -> memref<1280xf32, #tpu.memory_space<hbm>>
      tpu.enqueue_dma source(%dma_start3A_123 : memref<1280xf32, #tpu.memory_space<hbm>>) target(%dma_start3A_116 : memref<1280xf32, #tpu.memory_space<vmem>>) target_semaphore(%arg14 : memref<!tpu.dma_semaphore, #tpu.memory_space<semaphore_mem>>)
      %mul3A_124 = arith.constant 80 : i32
      %mul3A_125 = arith.muli %add3A_102, %mul3A_124 : i32
      %dma_start3A_126 = arith.constant 1 : i32
      %dma_start3A_127 = arith.constant 0 : i32
      %dma_start3A_128 = arith.constant 0 : i32
      %dma_start3A_129 = tpu.memref_slice %arg11[%dma_start3A_126, %dma_start3A_127, %dma_start3A_128] : memref<2x80x128xf32, #tpu.memory_space<vmem>> -> memref<1x80x128xf32, #tpu.memory_space<vmem>>
      %dma_start3A_130 = tpu.memref_squeeze %dma_start3A_129 : memref<1x80x128xf32, #tpu.memory_space<vmem>> -> memref<80x128xf32, #tpu.memory_space<vmem>>
      %dma_start3A_131 = tpu.memref_slice %arg9[%mul3A_125] : memref<10000xi32, #tpu.memory_space<vmem>> -> memref<80xi32, #tpu.memory_space<vmem>>
      %dma_start3A_132 = arith.constant 0 : i32
      %dma_start3A_133 = arith.constant 0 : i32
      %dma_start3A_134 = tpu.memref_slice %arg5[%dma_start3A_132, %dma_start3A_133] : memref<20000x128xf32, #tpu.memory_space<hbm>> -> memref<20000x128xf32, #tpu.memory_space<hbm>>
      tpu.enqueue_indirect_dma source(%dma_start3A_134 : memref<20000x128xf32, #tpu.memory_space<hbm>>) target(%dma_start3A_130 : memref<80x128xf32, #tpu.memory_space<vmem>>) offsets(%dma_start3A_131 : memref<80xi32, #tpu.memory_space<vmem>>) semaphore(%arg14 : memref<!tpu.dma_semaphore, #tpu.memory_space<semaphore_mem>>)
      %sub3A = arith.constant 1 : i32
      %sub3A_135 = arith.subi %add3A_102, %sub3A : i32
      %dma_wait3A_136 = arith.constant 0 : i32
      %dma_wait3A_137 = arith.constant 0 : i32
      %dma_wait3A_138 = arith.constant 0 : i32
      %dma_wait3A_139 = tpu.memref_slice %arg10[%dma_wait3A_137, %dma_wait3A_138] : memref<2x1280xf32, #tpu.memory_space<vmem>> -> memref<1x1280xf32, #tpu.memory_space<vmem>>
      %dma_wait3A_140 = tpu.memref_squeeze %dma_wait3A_139 : memref<1x1280xf32, #tpu.memory_space<vmem>> -> memref<1280xf32, #tpu.memory_space<vmem>>
      %dma_wait3A_141 = arith.constant 0 : i32
      %dma_wait3A_142 = arith.constant 0 : i32
      %dma_wait3A_143 = tpu.memref_slice %arg4[%arg1, %dma_wait3A_141, %dma_wait3A_142] : memref<16x125x1280xf32, #tpu.memory_space<hbm>> -> memref<1x125x1280xf32, #tpu.memory_space<hbm>>
      %dma_wait3A_144 = tpu.memref_squeeze %dma_wait3A_143 : memref<1x125x1280xf32, #tpu.memory_space<hbm>> -> memref<125x1280xf32, #tpu.memory_space<hbm>>
      %dma_wait3A_145 = arith.constant 0 : i32
      %dma_wait3A_146 = tpu.memref_slice %dma_wait3A_144[%dma_wait3A_136, %dma_wait3A_145] : memref<125x1280xf32, #tpu.memory_space<hbm>> -> memref<1x1280xf32, #tpu.memory_space<hbm>>
      %dma_wait3A_147 = tpu.memref_squeeze %dma_wait3A_146 : memref<1x1280xf32, #tpu.memory_space<hbm>> -> memref<1280xf32, #tpu.memory_space<hbm>>
      %dma_wait3A_148 = arith.constant 0 : i32
      %dma_wait3A_149 = tpu.memref_slice %arg10[%dma_wait3A_137, %dma_wait3A_148] : memref<2x1280xf32, #tpu.memory_space<vmem>> -> memref<1x1280xf32, #tpu.memory_space<vmem>>
      %dma_wait3A_150 = tpu.memref_squeeze %dma_wait3A_149 : memref<1x1280xf32, #tpu.memory_space<vmem>> -> memref<1280xf32, #tpu.memory_space<vmem>>
      %dma_wait3A_151 = arith.constant 0 : i32
      %dma_wait3A_152 = arith.constant 0 : i32
      %dma_wait3A_153 = tpu.memref_slice %arg4[%arg1, %dma_wait3A_151, %dma_wait3A_152] : memref<16x125x1280xf32, #tpu.memory_space<hbm>> -> memref<1x125x1280xf32, #tpu.memory_space<hbm>>
      %dma_wait3A_154 = tpu.memref_squeeze %dma_wait3A_153 : memref<1x125x1280xf32, #tpu.memory_space<hbm>> -> memref<125x1280xf32, #tpu.memory_space<hbm>>
      %dma_wait3A_155 = arith.constant 0 : i32
      %dma_wait3A_156 = tpu.memref_slice %dma_wait3A_154[%dma_wait3A_136, %dma_wait3A_155] : memref<125x1280xf32, #tpu.memory_space<hbm>> -> memref<1x1280xf32, #tpu.memory_space<hbm>>
      %dma_wait3A_157 = tpu.memref_squeeze %dma_wait3A_156 : memref<1x1280xf32, #tpu.memory_space<hbm>> -> memref<1280xf32, #tpu.memory_space<hbm>>
      tpu.wait_dma2 semaphore(%arg13 : memref<!tpu.dma_semaphore, #tpu.memory_space<semaphore_mem>>) src(%dma_wait3A_157 : memref<1280xf32, #tpu.memory_space<hbm>>) dst(%dma_wait3A_150 : memref<1280xf32, #tpu.memory_space<vmem>>)
      %dma_wait3A_158 = arith.constant 0 : i32
      %dma_wait3A_159 = arith.constant 0 : i32
      %dma_wait3A_160 = arith.constant 0 : i32
      %dma_wait3A_161 = tpu.memref_slice %arg11[%dma_wait3A_158, %dma_wait3A_159, %dma_wait3A_160] : memref<2x80x128xf32, #tpu.memory_space<vmem>> -> memref<1x80x128xf32, #tpu.memory_space<vmem>>
      %dma_wait3A_162 = tpu.memref_squeeze %dma_wait3A_161 : memref<1x80x128xf32, #tpu.memory_space<vmem>> -> memref<80x128xf32, #tpu.memory_space<vmem>>
      %dma_wait3A_163 = arith.constant 0 : i32
      %dma_wait3A_164 = arith.constant 0 : i32
      %dma_wait3A_165 = tpu.memref_slice %arg6[%dma_wait3A_163, %dma_wait3A_164] : memref<10000x128xf32, #tpu.memory_space<hbm>> -> memref<80x128xf32, #tpu.memory_space<hbm>>
      %dma_wait3A_166 = arith.constant 0 : i32
      %dma_wait3A_167 = arith.constant 0 : i32
      %dma_wait3A_168 = tpu.memref_slice %arg11[%dma_wait3A_158, %dma_wait3A_166, %dma_wait3A_167] : memref<2x80x128xf32, #tpu.memory_space<vmem>> -> memref<1x80x128xf32, #tpu.memory_space<vmem>>
      %dma_wait3A_169 = tpu.memref_squeeze %dma_wait3A_168 : memref<1x80x128xf32, #tpu.memory_space<vmem>> -> memref<80x128xf32, #tpu.memory_space<vmem>>
      %dma_wait3A_170 = arith.constant 0 : i32
      %dma_wait3A_171 = arith.constant 0 : i32
      %dma_wait3A_172 = tpu.memref_slice %arg6[%dma_wait3A_170, %dma_wait3A_171] : memref<10000x128xf32, #tpu.memory_space<hbm>> -> memref<80x128xf32, #tpu.memory_space<hbm>>
      tpu.wait_dma2 semaphore(%arg13 : memref<!tpu.dma_semaphore, #tpu.memory_space<semaphore_mem>>) src(%dma_wait3A_172 : memref<80x128xf32, #tpu.memory_space<hbm>>) dst(%dma_wait3A_169 : memref<80x128xf32, #tpu.memory_space<vmem>>)
      %add3A_173 = arith.constant 1 : i32
      %add3A_174 = arith.addi %add3A_102, %add3A_173 : i32
      %dma_start3A_175 = arith.constant 0 : i32
      %dma_start3A_176 = arith.constant 0 : i32
      %dma_start3A_177 = tpu.memref_slice %arg10[%dma_start3A_175, %dma_start3A_176] : memref<2x1280xf32, #tpu.memory_space<vmem>> -> memref<1x1280xf32, #tpu.memory_space<vmem>>
      %dma_start3A_178 = tpu.memref_squeeze %dma_start3A_177 : memref<1x1280xf32, #tpu.memory_space<vmem>> -> memref<1280xf32, #tpu.memory_space<vmem>>
      %dma_start3A_179 = arith.constant 0 : i32
      %dma_start3A_180 = arith.constant 0 : i32
      %dma_start3A_181 = tpu.memref_slice %arg4[%arg1, %dma_start3A_179, %dma_start3A_180] : memref<16x125x1280xf32, #tpu.memory_space<hbm>> -> memref<1x125x1280xf32, #tpu.memory_space<hbm>>
      %dma_start3A_182 = tpu.memref_squeeze %dma_start3A_181 : memref<1x125x1280xf32, #tpu.memory_space<hbm>> -> memref<125x1280xf32, #tpu.memory_space<hbm>>
      %dma_start3A_183 = arith.constant 0 : i32
      %dma_start3A_184 = tpu.memref_slice %dma_start3A_182[%add3A_174, %dma_start3A_183] : memref<125x1280xf32, #tpu.memory_space<hbm>> -> memref<1x1280xf32, #tpu.memory_space<hbm>>
      %dma_start3A_185 = tpu.memref_squeeze %dma_start3A_184 : memref<1x1280xf32, #tpu.memory_space<hbm>> -> memref<1280xf32, #tpu.memory_space<hbm>>
      %dma_start3A_186 = arith.constant 0 : i32
      %dma_start3A_187 = tpu.memref_slice %arg10[%dma_start3A_175, %dma_start3A_186] : memref<2x1280xf32, #tpu.memory_space<vmem>> -> memref<1x1280xf32, #tpu.memory_space<vmem>>
      %dma_start3A_188 = tpu.memref_squeeze %dma_start3A_187 : memref<1x1280xf32, #tpu.memory_space<vmem>> -> memref<1280xf32, #tpu.memory_space<vmem>>
      %dma_start3A_189 = arith.constant 0 : i32
      %dma_start3A_190 = arith.constant 0 : i32
      %dma_start3A_191 = tpu.memref_slice %arg4[%arg1, %dma_start3A_189, %dma_start3A_190] : memref<16x125x1280xf32, #tpu.memory_space<hbm>> -> memref<1x125x1280xf32, #tpu.memory_space<hbm>>
      %dma_start3A_192 = tpu.memref_squeeze %dma_start3A_191 : memref<1x125x1280xf32, #tpu.memory_space<hbm>> -> memref<125x1280xf32, #tpu.memory_space<hbm>>
      %dma_start3A_193 = arith.constant 0 : i32
      %dma_start3A_194 = tpu.memref_slice %dma_start3A_192[%add3A_174, %dma_start3A_193] : memref<125x1280xf32, #tpu.memory_space<hbm>> -> memref<1x1280xf32, #tpu.memory_space<hbm>>
      %dma_start3A_195 = tpu.memref_squeeze %dma_start3A_194 : memref<1x1280xf32, #tpu.memory_space<hbm>> -> memref<1280xf32, #tpu.memory_space<hbm>>
      tpu.enqueue_dma source(%dma_start3A_195 : memref<1280xf32, #tpu.memory_space<hbm>>) target(%dma_start3A_188 : memref<1280xf32, #tpu.memory_space<vmem>>) target_semaphore(%arg13 : memref<!tpu.dma_semaphore, #tpu.memory_space<semaphore_mem>>)
      %mul3A_196 = arith.constant 80 : i32
      %mul3A_197 = arith.muli %add3A_174, %mul3A_196 : i32
      %dma_start3A_198 = arith.constant 0 : i32
      %dma_start3A_199 = arith.constant 0 : i32
      %dma_start3A_200 = arith.constant 0 : i32
      %dma_start3A_201 = tpu.memref_slice %arg11[%dma_start3A_198, %dma_start3A_199, %dma_start3A_200] : memref<2x80x128xf32, #tpu.memory_space<vmem>> -> memref<1x80x128xf32, #tpu.memory_space<vmem>>
      %dma_start3A_202 = tpu.memref_squeeze %dma_start3A_201 : memref<1x80x128xf32, #tpu.memory_space<vmem>> -> memref<80x128xf32, #tpu.memory_space<vmem>>
      %dma_start3A_203 = tpu.memref_slice %arg9[%mul3A_197] : memref<10000xi32, #tpu.memory_space<vmem>> -> memref<80xi32, #tpu.memory_space<vmem>>
      %dma_start3A_204 = arith.constant 0 : i32
      %dma_start3A_205 = arith.constant 0 : i32
      %dma_start3A_206 = tpu.memref_slice %arg5[%dma_start3A_204, %dma_start3A_205] : memref<20000x128xf32, #tpu.memory_space<hbm>> -> memref<20000x128xf32, #tpu.memory_space<hbm>>
      tpu.enqueue_indirect_dma source(%dma_start3A_206 : memref<20000x128xf32, #tpu.memory_space<hbm>>) target(%dma_start3A_202 : memref<80x128xf32, #tpu.memory_space<vmem>>) offsets(%dma_start3A_203 : memref<80xi32, #tpu.memory_space<vmem>>) semaphore(%arg13 : memref<!tpu.dma_semaphore, #tpu.memory_space<semaphore_mem>>)
      %dma_wait3A_207 = arith.constant 0 : i32
      %dma_wait3A_208 = arith.constant 1 : i32
      %dma_wait3A_209 = arith.constant 0 : i32
      %dma_wait3A_210 = tpu.memref_slice %arg10[%dma_wait3A_208, %dma_wait3A_209] : memref<2x1280xf32, #tpu.memory_space<vmem>> -> memref<1x1280xf32, #tpu.memory_space<vmem>>
      %dma_wait3A_211 = tpu.memref_squeeze %dma_wait3A_210 : memref<1x1280xf32, #tpu.memory_space<vmem>> -> memref<1280xf32, #tpu.memory_space<vmem>>
      %dma_wait3A_212 = arith.constant 0 : i32
      %dma_wait3A_213 = arith.constant 0 : i32
      %dma_wait3A_214 = tpu.memref_slice %arg4[%arg1, %dma_wait3A_212, %dma_wait3A_213] : memref<16x125x1280xf32, #tpu.memory_space<hbm>> -> memref<1x125x1280xf32, #tpu.memory_space<hbm>>
      %dma_wait3A_215 = tpu.memref_squeeze %dma_wait3A_214 : memref<1x125x1280xf32, #tpu.memory_space<hbm>> -> memref<125x1280xf32, #tpu.memory_space<hbm>>
      %dma_wait3A_216 = arith.constant 0 : i32
      %dma_wait3A_217 = tpu.memref_slice %dma_wait3A_215[%dma_wait3A_207, %dma_wait3A_216] : memref<125x1280xf32, #tpu.memory_space<hbm>> -> memref<1x1280xf32, #tpu.memory_space<hbm>>
      %dma_wait3A_218 = tpu.memref_squeeze %dma_wait3A_217 : memref<1x1280xf32, #tpu.memory_space<hbm>> -> memref<1280xf32, #tpu.memory_space<hbm>>
      %dma_wait3A_219 = arith.constant 0 : i32
      %dma_wait3A_220 = tpu.memref_slice %arg10[%dma_wait3A_208, %dma_wait3A_219] : memref<2x1280xf32, #tpu.memory_space<vmem>> -> memref<1x1280xf32, #tpu.memory_space<vmem>>
      %dma_wait3A_221 = tpu.memref_squeeze %dma_wait3A_220 : memref<1x1280xf32, #tpu.memory_space<vmem>> -> memref<1280xf32, #tpu.memory_space<vmem>>
      %dma_wait3A_222 = arith.constant 0 : i32
      %dma_wait3A_223 = arith.constant 0 : i32
      %dma_wait3A_224 = tpu.memref_slice %arg4[%arg1, %dma_wait3A_222, %dma_wait3A_223] : memref<16x125x1280xf32, #tpu.memory_space<hbm>> -> memref<1x125x1280xf32, #tpu.memory_space<hbm>>
      %dma_wait3A_225 = tpu.memref_squeeze %dma_wait3A_224 : memref<1x125x1280xf32, #tpu.memory_space<hbm>> -> memref<125x1280xf32, #tpu.memory_space<hbm>>
      %dma_wait3A_226 = arith.constant 0 : i32
      %dma_wait3A_227 = tpu.memref_slice %dma_wait3A_225[%dma_wait3A_207, %dma_wait3A_226] : memref<125x1280xf32, #tpu.memory_space<hbm>> -> memref<1x1280xf32, #tpu.memory_space<hbm>>
      %dma_wait3A_228 = tpu.memref_squeeze %dma_wait3A_227 : memref<1x1280xf32, #tpu.memory_space<hbm>> -> memref<1280xf32, #tpu.memory_space<hbm>>
      tpu.wait_dma2 semaphore(%arg14 : memref<!tpu.dma_semaphore, #tpu.memory_space<semaphore_mem>>) src(%dma_wait3A_228 : memref<1280xf32, #tpu.memory_space<hbm>>) dst(%dma_wait3A_221 : memref<1280xf32, #tpu.memory_space<vmem>>)
      %dma_wait3A_229 = arith.constant 1 : i32
      %dma_wait3A_230 = arith.constant 0 : i32
      %dma_wait3A_231 = arith.constant 0 : i32
      %dma_wait3A_232 = tpu.memref_slice %arg11[%dma_wait3A_229, %dma_wait3A_230, %dma_wait3A_231] : memref<2x80x128xf32, #tpu.memory_space<vmem>> -> memref<1x80x128xf32, #tpu.memory_space<vmem>>
      %dma_wait3A_233 = tpu.memref_squeeze %dma_wait3A_232 : memref<1x80x128xf32, #tpu.memory_space<vmem>> -> memref<80x128xf32, #tpu.memory_space<vmem>>
      %dma_wait3A_234 = arith.constant 0 : i32
      %dma_wait3A_235 = arith.constant 0 : i32
      %dma_wait3A_236 = tpu.memref_slice %arg6[%dma_wait3A_234, %dma_wait3A_235] : memref<10000x128xf32, #tpu.memory_space<hbm>> -> memref<80x128xf32, #tpu.memory_space<hbm>>
      %dma_wait3A_237 = arith.constant 0 : i32
      %dma_wait3A_238 = arith.constant 0 : i32
      %dma_wait3A_239 = tpu.memref_slice %arg11[%dma_wait3A_229, %dma_wait3A_237, %dma_wait3A_238] : memref<2x80x128xf32, #tpu.memory_space<vmem>> -> memref<1x80x128xf32, #tpu.memory_space<vmem>>
      %dma_wait3A_240 = tpu.memref_squeeze %dma_wait3A_239 : memref<1x80x128xf32, #tpu.memory_space<vmem>> -> memref<80x128xf32, #tpu.memory_space<vmem>>
      %dma_wait3A_241 = arith.constant 0 : i32
      %dma_wait3A_242 = arith.constant 0 : i32
      %dma_wait3A_243 = tpu.memref_slice %arg6[%dma_wait3A_241, %dma_wait3A_242] : memref<10000x128xf32, #tpu.memory_space<hbm>> -> memref<80x128xf32, #tpu.memory_space<hbm>>
      tpu.wait_dma2 semaphore(%arg14 : memref<!tpu.dma_semaphore, #tpu.memory_space<semaphore_mem>>) src(%dma_wait3A_243 : memref<80x128xf32, #tpu.memory_space<hbm>>) dst(%dma_wait3A_240 : memref<80x128xf32, #tpu.memory_space<vmem>>)
    }
    %scan3A_44 = arith.constant 62 : i32
    %dma_wait3A = arith.constant 0 : i32
    %dma_wait3A_45 = arith.constant 0 : i32
    %dma_wait3A_46 = arith.constant 0 : i32
    %dma_wait3A_47 = tpu.memref_slice %arg10[%dma_wait3A_45, %dma_wait3A_46] : memref<2x1280xf32, #tpu.memory_space<vmem>> -> memref<1x1280xf32, #tpu.memory_space<vmem>>
    %dma_wait3A_48 = tpu.memref_squeeze %dma_wait3A_47 : memref<1x1280xf32, #tpu.memory_space<vmem>> -> memref<1280xf32, #tpu.memory_space<vmem>>
    %dma_wait3A_49 = arith.constant 0 : i32
    %dma_wait3A_50 = arith.constant 0 : i32
    %dma_wait3A_51 = tpu.memref_slice %arg4[%arg1, %dma_wait3A_49, %dma_wait3A_50] : memref<16x125x1280xf32, #tpu.memory_space<hbm>> -> memref<1x125x1280xf32, #tpu.memory_space<hbm>>
    %dma_wait3A_52 = tpu.memref_squeeze %dma_wait3A_51 : memref<1x125x1280xf32, #tpu.memory_space<hbm>> -> memref<125x1280xf32, #tpu.memory_space<hbm>>
    %dma_wait3A_53 = arith.constant 0 : i32
    %dma_wait3A_54 = tpu.memref_slice %dma_wait3A_52[%dma_wait3A, %dma_wait3A_53] : memref<125x1280xf32, #tpu.memory_space<hbm>> -> memref<1x1280xf32, #tpu.memory_space<hbm>>
    %dma_wait3A_55 = tpu.memref_squeeze %dma_wait3A_54 : memref<1x1280xf32, #tpu.memory_space<hbm>> -> memref<1280xf32, #tpu.memory_space<hbm>>
    %dma_wait3A_56 = arith.constant 0 : i32
    %dma_wait3A_57 = tpu.memref_slice %arg10[%dma_wait3A_45, %dma_wait3A_56] : memref<2x1280xf32, #tpu.memory_space<vmem>> -> memref<1x1280xf32, #tpu.memory_space<vmem>>
    %dma_wait3A_58 = tpu.memref_squeeze %dma_wait3A_57 : memref<1x1280xf32, #tpu.memory_space<vmem>> -> memref<1280xf32, #tpu.memory_space<vmem>>
    %dma_wait3A_59 = arith.constant 0 : i32
    %dma_wait3A_60 = arith.constant 0 : i32
    %dma_wait3A_61 = tpu.memref_slice %arg4[%arg1, %dma_wait3A_59, %dma_wait3A_60] : memref<16x125x1280xf32, #tpu.memory_space<hbm>> -> memref<1x125x1280xf32, #tpu.memory_space<hbm>>
    %dma_wait3A_62 = tpu.memref_squeeze %dma_wait3A_61 : memref<1x125x1280xf32, #tpu.memory_space<hbm>> -> memref<125x1280xf32, #tpu.memory_space<hbm>>
    %dma_wait3A_63 = arith.constant 0 : i32
    %dma_wait3A_64 = tpu.memref_slice %dma_wait3A_62[%dma_wait3A, %dma_wait3A_63] : memref<125x1280xf32, #tpu.memory_space<hbm>> -> memref<1x1280xf32, #tpu.memory_space<hbm>>
    %dma_wait3A_65 = tpu.memref_squeeze %dma_wait3A_64 : memref<1x1280xf32, #tpu.memory_space<hbm>> -> memref<1280xf32, #tpu.memory_space<hbm>>
    tpu.wait_dma2 semaphore(%arg13 : memref<!tpu.dma_semaphore, #tpu.memory_space<semaphore_mem>>) src(%dma_wait3A_65 : memref<1280xf32, #tpu.memory_space<hbm>>) dst(%dma_wait3A_58 : memref<1280xf32, #tpu.memory_space<vmem>>)
    %dma_wait3A_66 = arith.constant 0 : i32
    %dma_wait3A_67 = arith.constant 0 : i32
    %dma_wait3A_68 = arith.constant 0 : i32
    %dma_wait3A_69 = tpu.memref_slice %arg11[%dma_wait3A_66, %dma_wait3A_67, %dma_wait3A_68] : memref<2x80x128xf32, #tpu.memory_space<vmem>> -> memref<1x80x128xf32, #tpu.memory_space<vmem>>
    %dma_wait3A_70 = tpu.memref_squeeze %dma_wait3A_69 : memref<1x80x128xf32, #tpu.memory_space<vmem>> -> memref<80x128xf32, #tpu.memory_space<vmem>>
    %dma_wait3A_71 = arith.constant 0 : i32
    %dma_wait3A_72 = arith.constant 0 : i32
    %dma_wait3A_73 = tpu.memref_slice %arg6[%dma_wait3A_71, %dma_wait3A_72] : memref<10000x128xf32, #tpu.memory_space<hbm>> -> memref<80x128xf32, #tpu.memory_space<hbm>>
    %dma_wait3A_74 = arith.constant 0 : i32
    %dma_wait3A_75 = arith.constant 0 : i32
    %dma_wait3A_76 = tpu.memref_slice %arg11[%dma_wait3A_66, %dma_wait3A_74, %dma_wait3A_75] : memref<2x80x128xf32, #tpu.memory_space<vmem>> -> memref<1x80x128xf32, #tpu.memory_space<vmem>>
    %dma_wait3A_77 = tpu.memref_squeeze %dma_wait3A_76 : memref<1x80x128xf32, #tpu.memory_space<vmem>> -> memref<80x128xf32, #tpu.memory_space<vmem>>
    %dma_wait3A_78 = arith.constant 0 : i32
    %dma_wait3A_79 = arith.constant 0 : i32
    %dma_wait3A_80 = tpu.memref_slice %arg6[%dma_wait3A_78, %dma_wait3A_79] : memref<10000x128xf32, #tpu.memory_space<hbm>> -> memref<80x128xf32, #tpu.memory_space<hbm>>
    tpu.wait_dma2 semaphore(%arg13 : memref<!tpu.dma_semaphore, #tpu.memory_space<semaphore_mem>>) src(%dma_wait3A_80 : memref<80x128xf32, #tpu.memory_space<hbm>>) dst(%dma_wait3A_77 : memref<80x128xf32, #tpu.memory_space<vmem>>)
    %barrier3A_81 = arith.constant 0 : index
    tpu.barrier barrier_id(%barrier3A_81)
    %mul3A_82 = arith.constant 10000 : i32
    %mul3A_83 = arith.muli %arg0, %mul3A_82 : i32
    %mul3A_84 = arith.constant 624 : i32
    %mul3A_85 = arith.muli %arg1, %mul3A_84 : i32
    %add3A_86 = arith.constant 0 : i32
    %add3A_87 = arith.addi %add3A_86, %mul3A_85 : i32
    %multiple_of3A_88 = tpu.assume_multiple %add3A_87, 8 : i32
    %mul3A_89 = arith.constant 624 : i32
    %mul3A_90 = arith.muli %arg1, %mul3A_89 : i32
    %add3A_91 = arith.addi %mul3A_83, %mul3A_90 : i32
    %multiple_of3A_92 = tpu.assume_multiple %add3A_91, 8 : i32
    "tpu.region"() ({
      %run_scoped3A = tpu.sem_alloc : memref<!tpu.dma_semaphore, #tpu.memory_space<semaphore_mem>>
      %dma_start3A_98 = arith.constant 0 : i32
      %dma_start3A_99 = tpu.memref_slice %arg7[%multiple_of3A_92, %dma_start3A_98] : memref<20000x128xf32, #tpu.memory_space<hbm>> -> memref<624x128xf32, #tpu.memory_space<hbm>>
      %dma_start3A_100 = arith.constant 0 : i32
      %dma_start3A_101 = tpu.memref_slice %arg12[%multiple_of3A_88, %dma_start3A_100] : memref<10000x128xf32, #tpu.memory_space<vmem_shared>> -> memref<624x128xf32, #tpu.memory_space<vmem_shared>>
      tpu.enqueue_dma source(%dma_start3A_101 : memref<624x128xf32, #tpu.memory_space<vmem_shared>>) target(%dma_start3A_99 : memref<624x128xf32, #tpu.memory_space<hbm>>) target_semaphore(%run_scoped3A : memref<!tpu.dma_semaphore, #tpu.memory_space<semaphore_mem>>)
      %dma_wait3A_102 = arith.constant 0 : i32
      %dma_wait3A_103 = tpu.memref_slice %arg7[%multiple_of3A_92, %dma_wait3A_102] : memref<20000x128xf32, #tpu.memory_space<hbm>> -> memref<624x128xf32, #tpu.memory_space<hbm>>
      %dma_wait3A_104 = arith.constant 0 : i32
      %dma_wait3A_105 = tpu.memref_slice %arg12[%multiple_of3A_88, %dma_wait3A_104] : memref<10000x128xf32, #tpu.memory_space<vmem_shared>> -> memref<624x128xf32, #tpu.memory_space<vmem_shared>>
      tpu.wait_dma2 semaphore(%run_scoped3A : memref<!tpu.dma_semaphore, #tpu.memory_space<semaphore_mem>>) src(%dma_wait3A_105 : memref<624x128xf32, #tpu.memory_space<vmem_shared>>) dst(%dma_wait3A_103 : memref<624x128xf32, #tpu.memory_space<hbm>>)
      tpu.yield
    }) : () -> ()
    %eq3A_93 = arith.constant 0 : i32
    %eq3A_94 = arith.cmpi eq, %arg1, %eq3A_93 : i32
    %convert_element_type3A_95 = arith.extui %eq3A_94 : i1 to i32
    %cond3A_96 = arith.constant 0 : i32
    %cond3A_97 = arith.cmpi ne, %convert_element_type3A_95, %cond3A_96 : i32
    scf.if %cond3A_97 {
      %add3A_98 = arith.constant 9984 : i32
      %add3A_99 = arith.addi %mul3A_83, %add3A_98 : i32
      "tpu.region"() ({
        %run_scoped3A = tpu.sem_alloc : memref<!tpu.dma_semaphore, #tpu.memory_space<semaphore_mem>>
        %dma_start3A_100 = arith.constant 0 : i32
        %dma_start3A_101 = tpu.memref_slice %arg7[%add3A_99, %dma_start3A_100] : memref<20000x128xf32, #tpu.memory_space<hbm>> -> memref<16x128xf32, #tpu.memory_space<hbm>>
        %dma_start3A_102 = arith.constant 9984 : i32
        %dma_start3A_103 = arith.constant 0 : i32
        %dma_start3A_104 = tpu.memref_slice %arg12[%dma_start3A_102, %dma_start3A_103] : memref<10000x128xf32, #tpu.memory_space<vmem_shared>> -> memref<16x128xf32, #tpu.memory_space<vmem_shared>>
        tpu.enqueue_dma source(%dma_start3A_104 : memref<16x128xf32, #tpu.memory_space<vmem_shared>>) target(%dma_start3A_101 : memref<16x128xf32, #tpu.memory_space<hbm>>) target_semaphore(%run_scoped3A : memref<!tpu.dma_semaphore, #tpu.memory_space<semaphore_mem>>)
        %dma_wait3A_105 = arith.constant 0 : i32
        %dma_wait3A_106 = tpu.memref_slice %arg7[%add3A_99, %dma_wait3A_105] : memref<20000x128xf32, #tpu.memory_space<hbm>> -> memref<16x128xf32, #tpu.memory_space<hbm>>
        %dma_wait3A_107 = arith.constant 9984 : i32
        %dma_wait3A_108 = arith.constant 0 : i32
        %dma_wait3A_109 = tpu.memref_slice %arg12[%dma_wait3A_107, %dma_wait3A_108] : memref<10000x128xf32, #tpu.memory_space<vmem_shared>> -> memref<16x128xf32, #tpu.memory_space<vmem_shared>>
        tpu.wait_dma2 semaphore(%run_scoped3A : memref<!tpu.dma_semaphore, #tpu.memory_space<semaphore_mem>>) src(%dma_wait3A_109 : memref<16x128xf32, #tpu.memory_space<vmem_shared>>) dst(%dma_wait3A_106 : memref<16x128xf32, #tpu.memory_space<hbm>>)
        tpu.yield
      }) : () -> ()
    } else {
    }
    return
  }
}

#map = affine_map<(d0, d1) -> (0, 0, 0)>
#map1 = affine_map<(d0, d1) -> (0, 0)>
module attributes {stable_mosaic.version = 14 : i64} {
  func.func @_agg2_kernel(%arg0: i32, %arg1: i32, %arg2: memref<32x125x40xi32, #tpu.memory_space<hbm>>, %arg3: memref<32x5000xi32, #tpu.memory_space<hbm>>, %arg4: memref<32x125x640xf32, #tpu.memory_space<hbm>>, %arg5: memref<10000x128xf32, #tpu.memory_space<hbm>>, %arg6: memref<10000x128xf32, #tpu.memory_space<hbm>>, %arg7: memref<20000x128xf32, #tpu.memory_space<hbm>>, %arg8: memref<125x40xi32, #tpu.memory_space<vmem>>, %arg9: memref<5000xi32, #tpu.memory_space<vmem>>, %arg10: memref<2x640xf32, #tpu.memory_space<vmem>>, %arg11: memref<2x40x128xf32, #tpu.memory_space<vmem>>, %arg12: memref<10000x128xf32, #tpu.memory_space<vmem_shared>>, %arg13: memref<!tpu.dma_semaphore, #tpu.memory_space<semaphore_mem>>, %arg14: memref<!tpu.dma_semaphore, #tpu.memory_space<semaphore_mem>>) attributes {dimension_semantics = [#tpu.dimension_semantics<core_parallel>, #tpu.dimension_semantics<subcore_parallel>], iteration_bounds = array<i64: 2, 16>, scalar_prefetch = 0 : i64, scratch_operands = 7 : i64, tpu.core_type = #tpu.core_type<sc_vector_subcore>, window_params = [{transform_indices = #map}, {transform_indices = #map1}, {transform_indices = #map}, {transform_indices = #map1}, {transform_indices = #map1}, {transform_indices = #map1}]} {
    %mul3A = arith.constant 16 : i32
    %mul3A_0 = arith.muli %arg0, %mul3A : i32
    %add3A = arith.addi %mul3A_0, %arg1 : i32
    %mul3A_1 = arith.constant 624 : i32
    %mul3A_2 = arith.muli %arg1, %mul3A_1 : i32
    %add3A_3 = arith.constant 0 : i32
    %add3A_4 = arith.addi %add3A_3, %mul3A_2 : i32
    %multiple_of3A = tpu.assume_multiple %add3A_4, 8 : i32
    %mul3A_5 = arith.constant 624 : i32
    %mul3A_6 = arith.muli %arg1, %mul3A_5 : i32
    %add3A_7 = arith.constant 0 : i32
    %add3A_8 = arith.addi %add3A_7, %mul3A_6 : i32
    %multiple_of3A_9 = tpu.assume_multiple %add3A_8, 8 : i32
    "tpu.region"() ({
      %run_scoped3A = tpu.sem_alloc : memref<!tpu.dma_semaphore, #tpu.memory_space<semaphore_mem>>
      %dma_start3A_101 = arith.constant 0 : i32
      %dma_start3A_102 = tpu.memref_slice %arg12[%multiple_of3A_9, %dma_start3A_101] : memref<10000x128xf32, #tpu.memory_space<vmem_shared>> -> memref<624x128xf32, #tpu.memory_space<vmem_shared>>
      %dma_start3A_103 = arith.constant 0 : i32
      %dma_start3A_104 = tpu.memref_slice %arg6[%multiple_of3A, %dma_start3A_103] : memref<10000x128xf32, #tpu.memory_space<hbm>> -> memref<624x128xf32, #tpu.memory_space<hbm>>
      tpu.enqueue_dma source(%dma_start3A_104 : memref<624x128xf32, #tpu.memory_space<hbm>>) target(%dma_start3A_102 : memref<624x128xf32, #tpu.memory_space<vmem_shared>>) target_semaphore(%run_scoped3A : memref<!tpu.dma_semaphore, #tpu.memory_space<semaphore_mem>>)
      %dma_wait3A_105 = arith.constant 0 : i32
      %dma_wait3A_106 = tpu.memref_slice %arg12[%multiple_of3A_9, %dma_wait3A_105] : memref<10000x128xf32, #tpu.memory_space<vmem_shared>> -> memref<624x128xf32, #tpu.memory_space<vmem_shared>>
      %dma_wait3A_107 = arith.constant 0 : i32
      %dma_wait3A_108 = tpu.memref_slice %arg6[%multiple_of3A, %dma_wait3A_107] : memref<10000x128xf32, #tpu.memory_space<hbm>> -> memref<624x128xf32, #tpu.memory_space<hbm>>
      tpu.wait_dma2 semaphore(%run_scoped3A : memref<!tpu.dma_semaphore, #tpu.memory_space<semaphore_mem>>) src(%dma_wait3A_108 : memref<624x128xf32, #tpu.memory_space<hbm>>) dst(%dma_wait3A_106 : memref<624x128xf32, #tpu.memory_space<vmem_shared>>)
      tpu.yield
    }) : () -> ()
    %eq3A = arith.constant 0 : i32
    %eq3A_10 = arith.cmpi eq, %arg1, %eq3A : i32
    %convert_element_type3A = arith.extui %eq3A_10 : i1 to i32
    %cond3A = arith.constant 0 : i32
    %cond3A_11 = arith.cmpi ne, %convert_element_type3A, %cond3A : i32
    scf.if %cond3A_11 {
      "tpu.region"() ({
        %run_scoped3A = tpu.sem_alloc : memref<!tpu.dma_semaphore, #tpu.memory_space<semaphore_mem>>
        %dma_start3A_101 = arith.constant 9984 : i32
        %dma_start3A_102 = arith.constant 0 : i32
        %dma_start3A_103 = tpu.memref_slice %arg12[%dma_start3A_101, %dma_start3A_102] : memref<10000x128xf32, #tpu.memory_space<vmem_shared>> -> memref<16x128xf32, #tpu.memory_space<vmem_shared>>
        %dma_start3A_104 = arith.constant 9984 : i32
        %dma_start3A_105 = arith.constant 0 : i32
        %dma_start3A_106 = tpu.memref_slice %arg6[%dma_start3A_104, %dma_start3A_105] : memref<10000x128xf32, #tpu.memory_space<hbm>> -> memref<16x128xf32, #tpu.memory_space<hbm>>
        tpu.enqueue_dma source(%dma_start3A_106 : memref<16x128xf32, #tpu.memory_space<hbm>>) target(%dma_start3A_103 : memref<16x128xf32, #tpu.memory_space<vmem_shared>>) target_semaphore(%run_scoped3A : memref<!tpu.dma_semaphore, #tpu.memory_space<semaphore_mem>>)
        %dma_wait3A_107 = arith.constant 9984 : i32
        %dma_wait3A_108 = arith.constant 0 : i32
        %dma_wait3A_109 = tpu.memref_slice %arg12[%dma_wait3A_107, %dma_wait3A_108] : memref<10000x128xf32, #tpu.memory_space<vmem_shared>> -> memref<16x128xf32, #tpu.memory_space<vmem_shared>>
        %dma_wait3A_110 = arith.constant 9984 : i32
        %dma_wait3A_111 = arith.constant 0 : i32
        %dma_wait3A_112 = tpu.memref_slice %arg6[%dma_wait3A_110, %dma_wait3A_111] : memref<10000x128xf32, #tpu.memory_space<hbm>> -> memref<16x128xf32, #tpu.memory_space<hbm>>
        tpu.wait_dma2 semaphore(%run_scoped3A : memref<!tpu.dma_semaphore, #tpu.memory_space<semaphore_mem>>) src(%dma_wait3A_112 : memref<16x128xf32, #tpu.memory_space<hbm>>) dst(%dma_wait3A_109 : memref<16x128xf32, #tpu.memory_space<vmem_shared>>)
        tpu.yield
      }) : () -> ()
    } else {
    }
    "tpu.region"() ({
      %run_scoped3A = tpu.sem_alloc : memref<!tpu.dma_semaphore, #tpu.memory_space<semaphore_mem>>
      %dma_start3A_101 = arith.constant 0 : i32
      %dma_start3A_102 = arith.constant 0 : i32
      %dma_start3A_103 = tpu.memref_slice %arg2[%add3A, %dma_start3A_101, %dma_start3A_102] : memref<32x125x40xi32, #tpu.memory_space<hbm>> -> memref<1x125x40xi32, #tpu.memory_space<hbm>>
      %dma_start3A_104 = tpu.memref_squeeze %dma_start3A_103 : memref<1x125x40xi32, #tpu.memory_space<hbm>> -> memref<125x40xi32, #tpu.memory_space<hbm>>
      %dma_start3A_105 = arith.constant 0 : i32
      %dma_start3A_106 = arith.constant 0 : i32
      %dma_start3A_107 = tpu.memref_slice %arg2[%add3A, %dma_start3A_105, %dma_start3A_106] : memref<32x125x40xi32, #tpu.memory_space<hbm>> -> memref<1x125x40xi32, #tpu.memory_space<hbm>>
      %dma_start3A_108 = tpu.memref_squeeze %dma_start3A_107 : memref<1x125x40xi32, #tpu.memory_space<hbm>> -> memref<125x40xi32, #tpu.memory_space<hbm>>
      tpu.enqueue_dma source(%dma_start3A_108 : memref<125x40xi32, #tpu.memory_space<hbm>>) target(%arg8 : memref<125x40xi32, #tpu.memory_space<vmem>>) target_semaphore(%run_scoped3A : memref<!tpu.dma_semaphore, #tpu.memory_space<semaphore_mem>>)
      %dma_wait3A_109 = arith.constant 0 : i32
      %dma_wait3A_110 = arith.constant 0 : i32
      %dma_wait3A_111 = tpu.memref_slice %arg2[%add3A, %dma_wait3A_109, %dma_wait3A_110] : memref<32x125x40xi32, #tpu.memory_space<hbm>> -> memref<1x125x40xi32, #tpu.memory_space<hbm>>
      %dma_wait3A_112 = tpu.memref_squeeze %dma_wait3A_111 : memref<1x125x40xi32, #tpu.memory_space<hbm>> -> memref<125x40xi32, #tpu.memory_space<hbm>>
      %dma_wait3A_113 = arith.constant 0 : i32
      %dma_wait3A_114 = arith.constant 0 : i32
      %dma_wait3A_115 = tpu.memref_slice %arg2[%add3A, %dma_wait3A_113, %dma_wait3A_114] : memref<32x125x40xi32, #tpu.memory_space<hbm>> -> memref<1x125x40xi32, #tpu.memory_space<hbm>>
      %dma_wait3A_116 = tpu.memref_squeeze %dma_wait3A_115 : memref<1x125x40xi32, #tpu.memory_space<hbm>> -> memref<125x40xi32, #tpu.memory_space<hbm>>
      tpu.wait_dma2 semaphore(%run_scoped3A : memref<!tpu.dma_semaphore, #tpu.memory_space<semaphore_mem>>) src(%dma_wait3A_116 : memref<125x40xi32, #tpu.memory_space<hbm>>) dst(%arg8 : memref<125x40xi32, #tpu.memory_space<vmem>>)
      tpu.yield
    }) : () -> ()
    "tpu.region"() ({
      %run_scoped3A = tpu.sem_alloc : memref<!tpu.dma_semaphore, #tpu.memory_space<semaphore_mem>>
      %dma_start3A_101 = arith.constant 0 : i32
      %dma_start3A_102 = tpu.memref_slice %arg3[%add3A, %dma_start3A_101] : memref<32x5000xi32, #tpu.memory_space<hbm>> -> memref<1x5000xi32, #tpu.memory_space<hbm>>
      %dma_start3A_103 = tpu.memref_squeeze %dma_start3A_102 : memref<1x5000xi32, #tpu.memory_space<hbm>> -> memref<5000xi32, #tpu.memory_space<hbm>>
      %dma_start3A_104 = arith.constant 0 : i32
      %dma_start3A_105 = tpu.memref_slice %arg3[%add3A, %dma_start3A_104] : memref<32x5000xi32, #tpu.memory_space<hbm>> -> memref<1x5000xi32, #tpu.memory_space<hbm>>
      %dma_start3A_106 = tpu.memref_squeeze %dma_start3A_105 : memref<1x5000xi32, #tpu.memory_space<hbm>> -> memref<5000xi32, #tpu.memory_space<hbm>>
      tpu.enqueue_dma source(%dma_start3A_106 : memref<5000xi32, #tpu.memory_space<hbm>>) target(%arg9 : memref<5000xi32, #tpu.memory_space<vmem>>) target_semaphore(%run_scoped3A : memref<!tpu.dma_semaphore, #tpu.memory_space<semaphore_mem>>)
      %dma_wait3A_107 = arith.constant 0 : i32
      %dma_wait3A_108 = tpu.memref_slice %arg3[%add3A, %dma_wait3A_107] : memref<32x5000xi32, #tpu.memory_space<hbm>> -> memref<1x5000xi32, #tpu.memory_space<hbm>>
      %dma_wait3A_109 = tpu.memref_squeeze %dma_wait3A_108 : memref<1x5000xi32, #tpu.memory_space<hbm>> -> memref<5000xi32, #tpu.memory_space<hbm>>
      %dma_wait3A_110 = arith.constant 0 : i32
      %dma_wait3A_111 = tpu.memref_slice %arg3[%add3A, %dma_wait3A_110] : memref<32x5000xi32, #tpu.memory_space<hbm>> -> memref<1x5000xi32, #tpu.memory_space<hbm>>
      %dma_wait3A_112 = tpu.memref_squeeze %dma_wait3A_111 : memref<1x5000xi32, #tpu.memory_space<hbm>> -> memref<5000xi32, #tpu.memory_space<hbm>>
      tpu.wait_dma2 semaphore(%run_scoped3A : memref<!tpu.dma_semaphore, #tpu.memory_space<semaphore_mem>>) src(%dma_wait3A_112 : memref<5000xi32, #tpu.memory_space<hbm>>) dst(%arg9 : memref<5000xi32, #tpu.memory_space<vmem>>)
      tpu.yield
    }) : () -> ()
    %barrier3A = arith.constant 0 : index
    tpu.barrier barrier_id(%barrier3A)
    %dma_start3A = arith.constant 0 : i32
    %dma_start3A_12 = arith.constant 0 : i32
    %dma_start3A_13 = arith.constant 0 : i32
    %dma_start3A_14 = tpu.memref_slice %arg10[%dma_start3A_12, %dma_start3A_13] : memref<2x640xf32, #tpu.memory_space<vmem>> -> memref<1x640xf32, #tpu.memory_space<vmem>>
    %dma_start3A_15 = tpu.memref_squeeze %dma_start3A_14 : memref<1x640xf32, #tpu.memory_space<vmem>> -> memref<640xf32, #tpu.memory_space<vmem>>
    %dma_start3A_16 = arith.constant 0 : i32
    %dma_start3A_17 = arith.constant 0 : i32
    %dma_start3A_18 = tpu.memref_slice %arg4[%add3A, %dma_start3A_16, %dma_start3A_17] : memref<32x125x640xf32, #tpu.memory_space<hbm>> -> memref<1x125x640xf32, #tpu.memory_space<hbm>>
    %dma_start3A_19 = tpu.memref_squeeze %dma_start3A_18 : memref<1x125x640xf32, #tpu.memory_space<hbm>> -> memref<125x640xf32, #tpu.memory_space<hbm>>
    %dma_start3A_20 = arith.constant 0 : i32
    %dma_start3A_21 = tpu.memref_slice %dma_start3A_19[%dma_start3A, %dma_start3A_20] : memref<125x640xf32, #tpu.memory_space<hbm>> -> memref<1x640xf32, #tpu.memory_space<hbm>>
    %dma_start3A_22 = tpu.memref_squeeze %dma_start3A_21 : memref<1x640xf32, #tpu.memory_space<hbm>> -> memref<640xf32, #tpu.memory_space<hbm>>
    %dma_start3A_23 = arith.constant 0 : i32
    %dma_start3A_24 = tpu.memref_slice %arg10[%dma_start3A_12, %dma_start3A_23] : memref<2x640xf32, #tpu.memory_space<vmem>> -> memref<1x640xf32, #tpu.memory_space<vmem>>
    %dma_start3A_25 = tpu.memref_squeeze %dma_start3A_24 : memref<1x640xf32, #tpu.memory_space<vmem>> -> memref<640xf32, #tpu.memory_space<vmem>>
    %dma_start3A_26 = arith.constant 0 : i32
    %dma_start3A_27 = arith.constant 0 : i32
    %dma_start3A_28 = tpu.memref_slice %arg4[%add3A, %dma_start3A_26, %dma_start3A_27] : memref<32x125x640xf32, #tpu.memory_space<hbm>> -> memref<1x125x640xf32, #tpu.memory_space<hbm>>
    %dma_start3A_29 = tpu.memref_squeeze %dma_start3A_28 : memref<1x125x640xf32, #tpu.memory_space<hbm>> -> memref<125x640xf32, #tpu.memory_space<hbm>>
    %dma_start3A_30 = arith.constant 0 : i32
    %dma_start3A_31 = tpu.memref_slice %dma_start3A_29[%dma_start3A, %dma_start3A_30] : memref<125x640xf32, #tpu.memory_space<hbm>> -> memref<1x640xf32, #tpu.memory_space<hbm>>
    %dma_start3A_32 = tpu.memref_squeeze %dma_start3A_31 : memref<1x640xf32, #tpu.memory_space<hbm>> -> memref<640xf32, #tpu.memory_space<hbm>>
    tpu.enqueue_dma source(%dma_start3A_32 : memref<640xf32, #tpu.memory_space<hbm>>) target(%dma_start3A_25 : memref<640xf32, #tpu.memory_space<vmem>>) target_semaphore(%arg13 : memref<!tpu.dma_semaphore, #tpu.memory_space<semaphore_mem>>)
    %dma_start3A_33 = arith.constant 0 : i32
    %dma_start3A_34 = arith.constant 0 : i32
    %dma_start3A_35 = arith.constant 0 : i32
    %dma_start3A_36 = tpu.memref_slice %arg11[%dma_start3A_33, %dma_start3A_34, %dma_start3A_35] : memref<2x40x128xf32, #tpu.memory_space<vmem>> -> memref<1x40x128xf32, #tpu.memory_space<vmem>>
    %dma_start3A_37 = tpu.memref_squeeze %dma_start3A_36 : memref<1x40x128xf32, #tpu.memory_space<vmem>> -> memref<40x128xf32, #tpu.memory_space<vmem>>
    %dma_start3A_38 = arith.constant 0 : i32
    %dma_start3A_39 = tpu.memref_slice %arg9[%dma_start3A_38] : memref<5000xi32, #tpu.memory_space<vmem>> -> memref<40xi32, #tpu.memory_space<vmem>>
    %dma_start3A_40 = arith.constant 0 : i32
    %dma_start3A_41 = arith.constant 0 : i32
    %dma_start3A_42 = tpu.memref_slice %arg5[%dma_start3A_40, %dma_start3A_41] : memref<10000x128xf32, #tpu.memory_space<hbm>> -> memref<10000x128xf32, #tpu.memory_space<hbm>>
    tpu.enqueue_indirect_dma source(%dma_start3A_42 : memref<10000x128xf32, #tpu.memory_space<hbm>>) target(%dma_start3A_37 : memref<40x128xf32, #tpu.memory_space<vmem>>) offsets(%dma_start3A_39 : memref<40xi32, #tpu.memory_space<vmem>>) semaphore(%arg13 : memref<!tpu.dma_semaphore, #tpu.memory_space<semaphore_mem>>)
    %scan3A = arith.constant 0 : i32
    %scan3A_43 = arith.constant 0 : i32
    %scan3A_44 = arith.constant 62 : i32
    %scan3A_45 = arith.addi %scan3A_43, %scan3A_44 : i32
    %scan3A_46 = arith.constant 1 : i32
    scf.for %scan3A_101 = %scan3A_43 to %scan3A_45 step %scan3A_46  : i32 {
      %mul3A_102 = arith.constant 2 : i32
      %mul3A_103 = arith.muli %mul3A_102, %scan3A_101 : i32
      %add3A_104 = arith.constant 1 : i32
      %add3A_105 = arith.addi %add3A_104, %mul3A_103 : i32
      %dma_start3A_106 = arith.constant 1 : i32
      %dma_start3A_107 = arith.constant 0 : i32
      %dma_start3A_108 = tpu.memref_slice %arg10[%dma_start3A_106, %dma_start3A_107] : memref<2x640xf32, #tpu.memory_space<vmem>> -> memref<1x640xf32, #tpu.memory_space<vmem>>
      %dma_start3A_109 = tpu.memref_squeeze %dma_start3A_108 : memref<1x640xf32, #tpu.memory_space<vmem>> -> memref<640xf32, #tpu.memory_space<vmem>>
      %dma_start3A_110 = arith.constant 0 : i32
      %dma_start3A_111 = arith.constant 0 : i32
      %dma_start3A_112 = tpu.memref_slice %arg4[%add3A, %dma_start3A_110, %dma_start3A_111] : memref<32x125x640xf32, #tpu.memory_space<hbm>> -> memref<1x125x640xf32, #tpu.memory_space<hbm>>
      %dma_start3A_113 = tpu.memref_squeeze %dma_start3A_112 : memref<1x125x640xf32, #tpu.memory_space<hbm>> -> memref<125x640xf32, #tpu.memory_space<hbm>>
      %dma_start3A_114 = arith.constant 0 : i32
      %dma_start3A_115 = tpu.memref_slice %dma_start3A_113[%add3A_105, %dma_start3A_114] : memref<125x640xf32, #tpu.memory_space<hbm>> -> memref<1x640xf32, #tpu.memory_space<hbm>>
      %dma_start3A_116 = tpu.memref_squeeze %dma_start3A_115 : memref<1x640xf32, #tpu.memory_space<hbm>> -> memref<640xf32, #tpu.memory_space<hbm>>
      %dma_start3A_117 = arith.constant 0 : i32
      %dma_start3A_118 = tpu.memref_slice %arg10[%dma_start3A_106, %dma_start3A_117] : memref<2x640xf32, #tpu.memory_space<vmem>> -> memref<1x640xf32, #tpu.memory_space<vmem>>
      %dma_start3A_119 = tpu.memref_squeeze %dma_start3A_118 : memref<1x640xf32, #tpu.memory_space<vmem>> -> memref<640xf32, #tpu.memory_space<vmem>>
      %dma_start3A_120 = arith.constant 0 : i32
      %dma_start3A_121 = arith.constant 0 : i32
      %dma_start3A_122 = tpu.memref_slice %arg4[%add3A, %dma_start3A_120, %dma_start3A_121] : memref<32x125x640xf32, #tpu.memory_space<hbm>> -> memref<1x125x640xf32, #tpu.memory_space<hbm>>
      %dma_start3A_123 = tpu.memref_squeeze %dma_start3A_122 : memref<1x125x640xf32, #tpu.memory_space<hbm>> -> memref<125x640xf32, #tpu.memory_space<hbm>>
      %dma_start3A_124 = arith.constant 0 : i32
      %dma_start3A_125 = tpu.memref_slice %dma_start3A_123[%add3A_105, %dma_start3A_124] : memref<125x640xf32, #tpu.memory_space<hbm>> -> memref<1x640xf32, #tpu.memory_space<hbm>>
      %dma_start3A_126 = tpu.memref_squeeze %dma_start3A_125 : memref<1x640xf32, #tpu.memory_space<hbm>> -> memref<640xf32, #tpu.memory_space<hbm>>
      tpu.enqueue_dma source(%dma_start3A_126 : memref<640xf32, #tpu.memory_space<hbm>>) target(%dma_start3A_119 : memref<640xf32, #tpu.memory_space<vmem>>) target_semaphore(%arg14 : memref<!tpu.dma_semaphore, #tpu.memory_space<semaphore_mem>>)
      %mul3A_127 = arith.constant 40 : i32
      %mul3A_128 = arith.muli %add3A_105, %mul3A_127 : i32
      %dma_start3A_129 = arith.constant 1 : i32
      %dma_start3A_130 = arith.constant 0 : i32
      %dma_start3A_131 = arith.constant 0 : i32
      %dma_start3A_132 = tpu.memref_slice %arg11[%dma_start3A_129, %dma_start3A_130, %dma_start3A_131] : memref<2x40x128xf32, #tpu.memory_space<vmem>> -> memref<1x40x128xf32, #tpu.memory_space<vmem>>
      %dma_start3A_133 = tpu.memref_squeeze %dma_start3A_132 : memref<1x40x128xf32, #tpu.memory_space<vmem>> -> memref<40x128xf32, #tpu.memory_space<vmem>>
      %dma_start3A_134 = tpu.memref_slice %arg9[%mul3A_128] : memref<5000xi32, #tpu.memory_space<vmem>> -> memref<40xi32, #tpu.memory_space<vmem>>
      %dma_start3A_135 = arith.constant 0 : i32
      %dma_start3A_136 = arith.constant 0 : i32
      %dma_start3A_137 = tpu.memref_slice %arg5[%dma_start3A_135, %dma_start3A_136] : memref<10000x128xf32, #tpu.memory_space<hbm>> -> memref<10000x128xf32, #tpu.memory_space<hbm>>
      tpu.enqueue_indirect_dma source(%dma_start3A_137 : memref<10000x128xf32, #tpu.memory_space<hbm>>) target(%dma_start3A_133 : memref<40x128xf32, #tpu.memory_space<vmem>>) offsets(%dma_start3A_134 : memref<40xi32, #tpu.memory_space<vmem>>) semaphore(%arg14 : memref<!tpu.dma_semaphore, #tpu.memory_space<semaphore_mem>>)
      %sub3A = arith.constant 1 : i32
      %sub3A_138 = arith.subi %add3A_105, %sub3A : i32
      %dma_wait3A_139 = arith.constant 0 : i32
      %dma_wait3A_140 = arith.constant 0 : i32
      %dma_wait3A_141 = arith.constant 0 : i32
      %dma_wait3A_142 = tpu.memref_slice %arg10[%dma_wait3A_140, %dma_wait3A_141] : memref<2x640xf32, #tpu.memory_space<vmem>> -> memref<1x640xf32, #tpu.memory_space<vmem>>
      %dma_wait3A_143 = tpu.memref_squeeze %dma_wait3A_142 : memref<1x640xf32, #tpu.memory_space<vmem>> -> memref<640xf32, #tpu.memory_space<vmem>>
      %dma_wait3A_144 = arith.constant 0 : i32
      %dma_wait3A_145 = arith.constant 0 : i32
      %dma_wait3A_146 = tpu.memref_slice %arg4[%add3A, %dma_wait3A_144, %dma_wait3A_145] : memref<32x125x640xf32, #tpu.memory_space<hbm>> -> memref<1x125x640xf32, #tpu.memory_space<hbm>>
      %dma_wait3A_147 = tpu.memref_squeeze %dma_wait3A_146 : memref<1x125x640xf32, #tpu.memory_space<hbm>> -> memref<125x640xf32, #tpu.memory_space<hbm>>
      %dma_wait3A_148 = arith.constant 0 : i32
      %dma_wait3A_149 = tpu.memref_slice %dma_wait3A_147[%dma_wait3A_139, %dma_wait3A_148] : memref<125x640xf32, #tpu.memory_space<hbm>> -> memref<1x640xf32, #tpu.memory_space<hbm>>
      %dma_wait3A_150 = tpu.memref_squeeze %dma_wait3A_149 : memref<1x640xf32, #tpu.memory_space<hbm>> -> memref<640xf32, #tpu.memory_space<hbm>>
      %dma_wait3A_151 = arith.constant 0 : i32
      %dma_wait3A_152 = tpu.memref_slice %arg10[%dma_wait3A_140, %dma_wait3A_151] : memref<2x640xf32, #tpu.memory_space<vmem>> -> memref<1x640xf32, #tpu.memory_space<vmem>>
      %dma_wait3A_153 = tpu.memref_squeeze %dma_wait3A_152 : memref<1x640xf32, #tpu.memory_space<vmem>> -> memref<640xf32, #tpu.memory_space<vmem>>
      %dma_wait3A_154 = arith.constant 0 : i32
      %dma_wait3A_155 = arith.constant 0 : i32
      %dma_wait3A_156 = tpu.memref_slice %arg4[%add3A, %dma_wait3A_154, %dma_wait3A_155] : memref<32x125x640xf32, #tpu.memory_space<hbm>> -> memref<1x125x640xf32, #tpu.memory_space<hbm>>
      %dma_wait3A_157 = tpu.memref_squeeze %dma_wait3A_156 : memref<1x125x640xf32, #tpu.memory_space<hbm>> -> memref<125x640xf32, #tpu.memory_space<hbm>>
      %dma_wait3A_158 = arith.constant 0 : i32
      %dma_wait3A_159 = tpu.memref_slice %dma_wait3A_157[%dma_wait3A_139, %dma_wait3A_158] : memref<125x640xf32, #tpu.memory_space<hbm>> -> memref<1x640xf32, #tpu.memory_space<hbm>>
      %dma_wait3A_160 = tpu.memref_squeeze %dma_wait3A_159 : memref<1x640xf32, #tpu.memory_space<hbm>> -> memref<640xf32, #tpu.memory_space<hbm>>
      tpu.wait_dma2 semaphore(%arg13 : memref<!tpu.dma_semaphore, #tpu.memory_space<semaphore_mem>>) src(%dma_wait3A_160 : memref<640xf32, #tpu.memory_space<hbm>>) dst(%dma_wait3A_153 : memref<640xf32, #tpu.memory_space<vmem>>)
      %dma_wait3A_161 = arith.constant 0 : i32
      %dma_wait3A_162 = arith.constant 0 : i32
      %dma_wait3A_163 = arith.constant 0 : i32
      %dma_wait3A_164 = tpu.memref_slice %arg11[%dma_wait3A_161, %dma_wait3A_162, %dma_wait3A_163] : memref<2x40x128xf32, #tpu.memory_space<vmem>> -> memref<1x40x128xf32, #tpu.memory_space<vmem>>
      %dma_wait3A_165 = tpu.memref_squeeze %dma_wait3A_164 : memref<1x40x128xf32, #tpu.memory_space<vmem>> -> memref<40x128xf32, #tpu.memory_space<vmem>>
      %dma_wait3A_166 = arith.constant 0 : i32
      %dma_wait3A_167 = arith.constant 0 : i32
      %dma_wait3A_168 = tpu.memref_slice %arg6[%dma_wait3A_166, %dma_wait3A_167] : memref<10000x128xf32, #tpu.memory_space<hbm>> -> memref<40x128xf32, #tpu.memory_space<hbm>>
      %dma_wait3A_169 = arith.constant 0 : i32
      %dma_wait3A_170 = arith.constant 0 : i32
      %dma_wait3A_171 = tpu.memref_slice %arg11[%dma_wait3A_161, %dma_wait3A_169, %dma_wait3A_170] : memref<2x40x128xf32, #tpu.memory_space<vmem>> -> memref<1x40x128xf32, #tpu.memory_space<vmem>>
      %dma_wait3A_172 = tpu.memref_squeeze %dma_wait3A_171 : memref<1x40x128xf32, #tpu.memory_space<vmem>> -> memref<40x128xf32, #tpu.memory_space<vmem>>
      %dma_wait3A_173 = arith.constant 0 : i32
      %dma_wait3A_174 = arith.constant 0 : i32
      %dma_wait3A_175 = tpu.memref_slice %arg6[%dma_wait3A_173, %dma_wait3A_174] : memref<10000x128xf32, #tpu.memory_space<hbm>> -> memref<40x128xf32, #tpu.memory_space<hbm>>
      tpu.wait_dma2 semaphore(%arg13 : memref<!tpu.dma_semaphore, #tpu.memory_space<semaphore_mem>>) src(%dma_wait3A_175 : memref<40x128xf32, #tpu.memory_space<hbm>>) dst(%dma_wait3A_172 : memref<40x128xf32, #tpu.memory_space<vmem>>)
      %add3A_176 = arith.constant 1 : i32
      %add3A_177 = arith.addi %add3A_105, %add3A_176 : i32
      %dma_start3A_178 = arith.constant 0 : i32
      %dma_start3A_179 = arith.constant 0 : i32
      %dma_start3A_180 = tpu.memref_slice %arg10[%dma_start3A_178, %dma_start3A_179] : memref<2x640xf32, #tpu.memory_space<vmem>> -> memref<1x640xf32, #tpu.memory_space<vmem>>
      %dma_start3A_181 = tpu.memref_squeeze %dma_start3A_180 : memref<1x640xf32, #tpu.memory_space<vmem>> -> memref<640xf32, #tpu.memory_space<vmem>>
      %dma_start3A_182 = arith.constant 0 : i32
      %dma_start3A_183 = arith.constant 0 : i32
      %dma_start3A_184 = tpu.memref_slice %arg4[%add3A, %dma_start3A_182, %dma_start3A_183] : memref<32x125x640xf32, #tpu.memory_space<hbm>> -> memref<1x125x640xf32, #tpu.memory_space<hbm>>
      %dma_start3A_185 = tpu.memref_squeeze %dma_start3A_184 : memref<1x125x640xf32, #tpu.memory_space<hbm>> -> memref<125x640xf32, #tpu.memory_space<hbm>>
      %dma_start3A_186 = arith.constant 0 : i32
      %dma_start3A_187 = tpu.memref_slice %dma_start3A_185[%add3A_177, %dma_start3A_186] : memref<125x640xf32, #tpu.memory_space<hbm>> -> memref<1x640xf32, #tpu.memory_space<hbm>>
      %dma_start3A_188 = tpu.memref_squeeze %dma_start3A_187 : memref<1x640xf32, #tpu.memory_space<hbm>> -> memref<640xf32, #tpu.memory_space<hbm>>
      %dma_start3A_189 = arith.constant 0 : i32
      %dma_start3A_190 = tpu.memref_slice %arg10[%dma_start3A_178, %dma_start3A_189] : memref<2x640xf32, #tpu.memory_space<vmem>> -> memref<1x640xf32, #tpu.memory_space<vmem>>
      %dma_start3A_191 = tpu.memref_squeeze %dma_start3A_190 : memref<1x640xf32, #tpu.memory_space<vmem>> -> memref<640xf32, #tpu.memory_space<vmem>>
      %dma_start3A_192 = arith.constant 0 : i32
      %dma_start3A_193 = arith.constant 0 : i32
      %dma_start3A_194 = tpu.memref_slice %arg4[%add3A, %dma_start3A_192, %dma_start3A_193] : memref<32x125x640xf32, #tpu.memory_space<hbm>> -> memref<1x125x640xf32, #tpu.memory_space<hbm>>
      %dma_start3A_195 = tpu.memref_squeeze %dma_start3A_194 : memref<1x125x640xf32, #tpu.memory_space<hbm>> -> memref<125x640xf32, #tpu.memory_space<hbm>>
      %dma_start3A_196 = arith.constant 0 : i32
      %dma_start3A_197 = tpu.memref_slice %dma_start3A_195[%add3A_177, %dma_start3A_196] : memref<125x640xf32, #tpu.memory_space<hbm>> -> memref<1x640xf32, #tpu.memory_space<hbm>>
      %dma_start3A_198 = tpu.memref_squeeze %dma_start3A_197 : memref<1x640xf32, #tpu.memory_space<hbm>> -> memref<640xf32, #tpu.memory_space<hbm>>
      tpu.enqueue_dma source(%dma_start3A_198 : memref<640xf32, #tpu.memory_space<hbm>>) target(%dma_start3A_191 : memref<640xf32, #tpu.memory_space<vmem>>) target_semaphore(%arg13 : memref<!tpu.dma_semaphore, #tpu.memory_space<semaphore_mem>>)
      %mul3A_199 = arith.constant 40 : i32
      %mul3A_200 = arith.muli %add3A_177, %mul3A_199 : i32
      %dma_start3A_201 = arith.constant 0 : i32
      %dma_start3A_202 = arith.constant 0 : i32
      %dma_start3A_203 = arith.constant 0 : i32
      %dma_start3A_204 = tpu.memref_slice %arg11[%dma_start3A_201, %dma_start3A_202, %dma_start3A_203] : memref<2x40x128xf32, #tpu.memory_space<vmem>> -> memref<1x40x128xf32, #tpu.memory_space<vmem>>
      %dma_start3A_205 = tpu.memref_squeeze %dma_start3A_204 : memref<1x40x128xf32, #tpu.memory_space<vmem>> -> memref<40x128xf32, #tpu.memory_space<vmem>>
      %dma_start3A_206 = tpu.memref_slice %arg9[%mul3A_200] : memref<5000xi32, #tpu.memory_space<vmem>> -> memref<40xi32, #tpu.memory_space<vmem>>
      %dma_start3A_207 = arith.constant 0 : i32
      %dma_start3A_208 = arith.constant 0 : i32
      %dma_start3A_209 = tpu.memref_slice %arg5[%dma_start3A_207, %dma_start3A_208] : memref<10000x128xf32, #tpu.memory_space<hbm>> -> memref<10000x128xf32, #tpu.memory_space<hbm>>
      tpu.enqueue_indirect_dma source(%dma_start3A_209 : memref<10000x128xf32, #tpu.memory_space<hbm>>) target(%dma_start3A_205 : memref<40x128xf32, #tpu.memory_space<vmem>>) offsets(%dma_start3A_206 : memref<40xi32, #tpu.memory_space<vmem>>) semaphore(%arg13 : memref<!tpu.dma_semaphore, #tpu.memory_space<semaphore_mem>>)
      %dma_wait3A_210 = arith.constant 0 : i32
      %dma_wait3A_211 = arith.constant 1 : i32
      %dma_wait3A_212 = arith.constant 0 : i32
      %dma_wait3A_213 = tpu.memref_slice %arg10[%dma_wait3A_211, %dma_wait3A_212] : memref<2x640xf32, #tpu.memory_space<vmem>> -> memref<1x640xf32, #tpu.memory_space<vmem>>
      %dma_wait3A_214 = tpu.memref_squeeze %dma_wait3A_213 : memref<1x640xf32, #tpu.memory_space<vmem>> -> memref<640xf32, #tpu.memory_space<vmem>>
      %dma_wait3A_215 = arith.constant 0 : i32
      %dma_wait3A_216 = arith.constant 0 : i32
      %dma_wait3A_217 = tpu.memref_slice %arg4[%add3A, %dma_wait3A_215, %dma_wait3A_216] : memref<32x125x640xf32, #tpu.memory_space<hbm>> -> memref<1x125x640xf32, #tpu.memory_space<hbm>>
      %dma_wait3A_218 = tpu.memref_squeeze %dma_wait3A_217 : memref<1x125x640xf32, #tpu.memory_space<hbm>> -> memref<125x640xf32, #tpu.memory_space<hbm>>
      %dma_wait3A_219 = arith.constant 0 : i32
      %dma_wait3A_220 = tpu.memref_slice %dma_wait3A_218[%dma_wait3A_210, %dma_wait3A_219] : memref<125x640xf32, #tpu.memory_space<hbm>> -> memref<1x640xf32, #tpu.memory_space<hbm>>
      %dma_wait3A_221 = tpu.memref_squeeze %dma_wait3A_220 : memref<1x640xf32, #tpu.memory_space<hbm>> -> memref<640xf32, #tpu.memory_space<hbm>>
      %dma_wait3A_222 = arith.constant 0 : i32
      %dma_wait3A_223 = tpu.memref_slice %arg10[%dma_wait3A_211, %dma_wait3A_222] : memref<2x640xf32, #tpu.memory_space<vmem>> -> memref<1x640xf32, #tpu.memory_space<vmem>>
      %dma_wait3A_224 = tpu.memref_squeeze %dma_wait3A_223 : memref<1x640xf32, #tpu.memory_space<vmem>> -> memref<640xf32, #tpu.memory_space<vmem>>
      %dma_wait3A_225 = arith.constant 0 : i32
      %dma_wait3A_226 = arith.constant 0 : i32
      %dma_wait3A_227 = tpu.memref_slice %arg4[%add3A, %dma_wait3A_225, %dma_wait3A_226] : memref<32x125x640xf32, #tpu.memory_space<hbm>> -> memref<1x125x640xf32, #tpu.memory_space<hbm>>
      %dma_wait3A_228 = tpu.memref_squeeze %dma_wait3A_227 : memref<1x125x640xf32, #tpu.memory_space<hbm>> -> memref<125x640xf32, #tpu.memory_space<hbm>>
      %dma_wait3A_229 = arith.constant 0 : i32
      %dma_wait3A_230 = tpu.memref_slice %dma_wait3A_228[%dma_wait3A_210, %dma_wait3A_229] : memref<125x640xf32, #tpu.memory_space<hbm>> -> memref<1x640xf32, #tpu.memory_space<hbm>>
      %dma_wait3A_231 = tpu.memref_squeeze %dma_wait3A_230 : memref<1x640xf32, #tpu.memory_space<hbm>> -> memref<640xf32, #tpu.memory_space<hbm>>
      tpu.wait_dma2 semaphore(%arg14 : memref<!tpu.dma_semaphore, #tpu.memory_space<semaphore_mem>>) src(%dma_wait3A_231 : memref<640xf32, #tpu.memory_space<hbm>>) dst(%dma_wait3A_224 : memref<640xf32, #tpu.memory_space<vmem>>)
      %dma_wait3A_232 = arith.constant 1 : i32
      %dma_wait3A_233 = arith.constant 0 : i32
      %dma_wait3A_234 = arith.constant 0 : i32
      %dma_wait3A_235 = tpu.memref_slice %arg11[%dma_wait3A_232, %dma_wait3A_233, %dma_wait3A_234] : memref<2x40x128xf32, #tpu.memory_space<vmem>> -> memref<1x40x128xf32, #tpu.memory_space<vmem>>
      %dma_wait3A_236 = tpu.memref_squeeze %dma_wait3A_235 : memref<1x40x128xf32, #tpu.memory_space<vmem>> -> memref<40x128xf32, #tpu.memory_space<vmem>>
      %dma_wait3A_237 = arith.constant 0 : i32
      %dma_wait3A_238 = arith.constant 0 : i32
      %dma_wait3A_239 = tpu.memref_slice %arg6[%dma_wait3A_237, %dma_wait3A_238] : memref<10000x128xf32, #tpu.memory_space<hbm>> -> memref<40x128xf32, #tpu.memory_space<hbm>>
      %dma_wait3A_240 = arith.constant 0 : i32
      %dma_wait3A_241 = arith.constant 0 : i32
      %dma_wait3A_242 = tpu.memref_slice %arg11[%dma_wait3A_232, %dma_wait3A_240, %dma_wait3A_241] : memref<2x40x128xf32, #tpu.memory_space<vmem>> -> memref<1x40x128xf32, #tpu.memory_space<vmem>>
      %dma_wait3A_243 = tpu.memref_squeeze %dma_wait3A_242 : memref<1x40x128xf32, #tpu.memory_space<vmem>> -> memref<40x128xf32, #tpu.memory_space<vmem>>
      %dma_wait3A_244 = arith.constant 0 : i32
      %dma_wait3A_245 = arith.constant 0 : i32
      %dma_wait3A_246 = tpu.memref_slice %arg6[%dma_wait3A_244, %dma_wait3A_245] : memref<10000x128xf32, #tpu.memory_space<hbm>> -> memref<40x128xf32, #tpu.memory_space<hbm>>
      tpu.wait_dma2 semaphore(%arg14 : memref<!tpu.dma_semaphore, #tpu.memory_space<semaphore_mem>>) src(%dma_wait3A_246 : memref<40x128xf32, #tpu.memory_space<hbm>>) dst(%dma_wait3A_243 : memref<40x128xf32, #tpu.memory_space<vmem>>)
    }
    %scan3A_47 = arith.constant 62 : i32
    %dma_wait3A = arith.constant 0 : i32
    %dma_wait3A_48 = arith.constant 0 : i32
    %dma_wait3A_49 = arith.constant 0 : i32
    %dma_wait3A_50 = tpu.memref_slice %arg10[%dma_wait3A_48, %dma_wait3A_49] : memref<2x640xf32, #tpu.memory_space<vmem>> -> memref<1x640xf32, #tpu.memory_space<vmem>>
    %dma_wait3A_51 = tpu.memref_squeeze %dma_wait3A_50 : memref<1x640xf32, #tpu.memory_space<vmem>> -> memref<640xf32, #tpu.memory_space<vmem>>
    %dma_wait3A_52 = arith.constant 0 : i32
    %dma_wait3A_53 = arith.constant 0 : i32
    %dma_wait3A_54 = tpu.memref_slice %arg4[%add3A, %dma_wait3A_52, %dma_wait3A_53] : memref<32x125x640xf32, #tpu.memory_space<hbm>> -> memref<1x125x640xf32, #tpu.memory_space<hbm>>
    %dma_wait3A_55 = tpu.memref_squeeze %dma_wait3A_54 : memref<1x125x640xf32, #tpu.memory_space<hbm>> -> memref<125x640xf32, #tpu.memory_space<hbm>>
    %dma_wait3A_56 = arith.constant 0 : i32
    %dma_wait3A_57 = tpu.memref_slice %dma_wait3A_55[%dma_wait3A, %dma_wait3A_56] : memref<125x640xf32, #tpu.memory_space<hbm>> -> memref<1x640xf32, #tpu.memory_space<hbm>>
    %dma_wait3A_58 = tpu.memref_squeeze %dma_wait3A_57 : memref<1x640xf32, #tpu.memory_space<hbm>> -> memref<640xf32, #tpu.memory_space<hbm>>
    %dma_wait3A_59 = arith.constant 0 : i32
    %dma_wait3A_60 = tpu.memref_slice %arg10[%dma_wait3A_48, %dma_wait3A_59] : memref<2x640xf32, #tpu.memory_space<vmem>> -> memref<1x640xf32, #tpu.memory_space<vmem>>
    %dma_wait3A_61 = tpu.memref_squeeze %dma_wait3A_60 : memref<1x640xf32, #tpu.memory_space<vmem>> -> memref<640xf32, #tpu.memory_space<vmem>>
    %dma_wait3A_62 = arith.constant 0 : i32
    %dma_wait3A_63 = arith.constant 0 : i32
    %dma_wait3A_64 = tpu.memref_slice %arg4[%add3A, %dma_wait3A_62, %dma_wait3A_63] : memref<32x125x640xf32, #tpu.memory_space<hbm>> -> memref<1x125x640xf32, #tpu.memory_space<hbm>>
    %dma_wait3A_65 = tpu.memref_squeeze %dma_wait3A_64 : memref<1x125x640xf32, #tpu.memory_space<hbm>> -> memref<125x640xf32, #tpu.memory_space<hbm>>
    %dma_wait3A_66 = arith.constant 0 : i32
    %dma_wait3A_67 = tpu.memref_slice %dma_wait3A_65[%dma_wait3A, %dma_wait3A_66] : memref<125x640xf32, #tpu.memory_space<hbm>> -> memref<1x640xf32, #tpu.memory_space<hbm>>
    %dma_wait3A_68 = tpu.memref_squeeze %dma_wait3A_67 : memref<1x640xf32, #tpu.memory_space<hbm>> -> memref<640xf32, #tpu.memory_space<hbm>>
    tpu.wait_dma2 semaphore(%arg13 : memref<!tpu.dma_semaphore, #tpu.memory_space<semaphore_mem>>) src(%dma_wait3A_68 : memref<640xf32, #tpu.memory_space<hbm>>) dst(%dma_wait3A_61 : memref<640xf32, #tpu.memory_space<vmem>>)
    %dma_wait3A_69 = arith.constant 0 : i32
    %dma_wait3A_70 = arith.constant 0 : i32
    %dma_wait3A_71 = arith.constant 0 : i32
    %dma_wait3A_72 = tpu.memref_slice %arg11[%dma_wait3A_69, %dma_wait3A_70, %dma_wait3A_71] : memref<2x40x128xf32, #tpu.memory_space<vmem>> -> memref<1x40x128xf32, #tpu.memory_space<vmem>>
    %dma_wait3A_73 = tpu.memref_squeeze %dma_wait3A_72 : memref<1x40x128xf32, #tpu.memory_space<vmem>> -> memref<40x128xf32, #tpu.memory_space<vmem>>
    %dma_wait3A_74 = arith.constant 0 : i32
    %dma_wait3A_75 = arith.constant 0 : i32
    %dma_wait3A_76 = tpu.memref_slice %arg6[%dma_wait3A_74, %dma_wait3A_75] : memref<10000x128xf32, #tpu.memory_space<hbm>> -> memref<40x128xf32, #tpu.memory_space<hbm>>
    %dma_wait3A_77 = arith.constant 0 : i32
    %dma_wait3A_78 = arith.constant 0 : i32
    %dma_wait3A_79 = tpu.memref_slice %arg11[%dma_wait3A_69, %dma_wait3A_77, %dma_wait3A_78] : memref<2x40x128xf32, #tpu.memory_space<vmem>> -> memref<1x40x128xf32, #tpu.memory_space<vmem>>
    %dma_wait3A_80 = tpu.memref_squeeze %dma_wait3A_79 : memref<1x40x128xf32, #tpu.memory_space<vmem>> -> memref<40x128xf32, #tpu.memory_space<vmem>>
    %dma_wait3A_81 = arith.constant 0 : i32
    %dma_wait3A_82 = arith.constant 0 : i32
    %dma_wait3A_83 = tpu.memref_slice %arg6[%dma_wait3A_81, %dma_wait3A_82] : memref<10000x128xf32, #tpu.memory_space<hbm>> -> memref<40x128xf32, #tpu.memory_space<hbm>>
    tpu.wait_dma2 semaphore(%arg13 : memref<!tpu.dma_semaphore, #tpu.memory_space<semaphore_mem>>) src(%dma_wait3A_83 : memref<40x128xf32, #tpu.memory_space<hbm>>) dst(%dma_wait3A_80 : memref<40x128xf32, #tpu.memory_space<vmem>>)
    %barrier3A_84 = arith.constant 0 : index
    tpu.barrier barrier_id(%barrier3A_84)
    %mul3A_85 = arith.constant 10000 : i32
    %mul3A_86 = arith.muli %arg0, %mul3A_85 : i32
    %mul3A_87 = arith.constant 624 : i32
    %mul3A_88 = arith.muli %arg1, %mul3A_87 : i32
    %add3A_89 = arith.constant 0 : i32
    %add3A_90 = arith.addi %add3A_89, %mul3A_88 : i32
    %multiple_of3A_91 = tpu.assume_multiple %add3A_90, 8 : i32
    %mul3A_92 = arith.constant 624 : i32
    %mul3A_93 = arith.muli %arg1, %mul3A_92 : i32
    %add3A_94 = arith.addi %mul3A_86, %mul3A_93 : i32
    %multiple_of3A_95 = tpu.assume_multiple %add3A_94, 8 : i32
    "tpu.region"() ({
      %run_scoped3A = tpu.sem_alloc : memref<!tpu.dma_semaphore, #tpu.memory_space<semaphore_mem>>
      %dma_start3A_101 = arith.constant 0 : i32
      %dma_start3A_102 = tpu.memref_slice %arg7[%multiple_of3A_95, %dma_start3A_101] : memref<20000x128xf32, #tpu.memory_space<hbm>> -> memref<624x128xf32, #tpu.memory_space<hbm>>
      %dma_start3A_103 = arith.constant 0 : i32
      %dma_start3A_104 = tpu.memref_slice %arg12[%multiple_of3A_91, %dma_start3A_103] : memref<10000x128xf32, #tpu.memory_space<vmem_shared>> -> memref<624x128xf32, #tpu.memory_space<vmem_shared>>
      tpu.enqueue_dma source(%dma_start3A_104 : memref<624x128xf32, #tpu.memory_space<vmem_shared>>) target(%dma_start3A_102 : memref<624x128xf32, #tpu.memory_space<hbm>>) target_semaphore(%run_scoped3A : memref<!tpu.dma_semaphore, #tpu.memory_space<semaphore_mem>>)
      %dma_wait3A_105 = arith.constant 0 : i32
      %dma_wait3A_106 = tpu.memref_slice %arg7[%multiple_of3A_95, %dma_wait3A_105] : memref<20000x128xf32, #tpu.memory_space<hbm>> -> memref<624x128xf32, #tpu.memory_space<hbm>>
      %dma_wait3A_107 = arith.constant 0 : i32
      %dma_wait3A_108 = tpu.memref_slice %arg12[%multiple_of3A_91, %dma_wait3A_107] : memref<10000x128xf32, #tpu.memory_space<vmem_shared>> -> memref<624x128xf32, #tpu.memory_space<vmem_shared>>
      tpu.wait_dma2 semaphore(%run_scoped3A : memref<!tpu.dma_semaphore, #tpu.memory_space<semaphore_mem>>) src(%dma_wait3A_108 : memref<624x128xf32, #tpu.memory_space<vmem_shared>>) dst(%dma_wait3A_106 : memref<624x128xf32, #tpu.memory_space<hbm>>)
      tpu.yield
    }) : () -> ()
    %eq3A_96 = arith.constant 0 : i32
    %eq3A_97 = arith.cmpi eq, %arg1, %eq3A_96 : i32
    %convert_element_type3A_98 = arith.extui %eq3A_97 : i1 to i32
    %cond3A_99 = arith.constant 0 : i32
    %cond3A_100 = arith.cmpi ne, %convert_element_type3A_98, %cond3A_99 : i32
    scf.if %cond3A_100 {
      %add3A_101 = arith.constant 9984 : i32
      %add3A_102 = arith.addi %mul3A_86, %add3A_101 : i32
      "tpu.region"() ({
        %run_scoped3A = tpu.sem_alloc : memref<!tpu.dma_semaphore, #tpu.memory_space<semaphore_mem>>
        %dma_start3A_103 = arith.constant 0 : i32
        %dma_start3A_104 = tpu.memref_slice %arg7[%add3A_102, %dma_start3A_103] : memref<20000x128xf32, #tpu.memory_space<hbm>> -> memref<16x128xf32, #tpu.memory_space<hbm>>
        %dma_start3A_105 = arith.constant 9984 : i32
        %dma_start3A_106 = arith.constant 0 : i32
        %dma_start3A_107 = tpu.memref_slice %arg12[%dma_start3A_105, %dma_start3A_106] : memref<10000x128xf32, #tpu.memory_space<vmem_shared>> -> memref<16x128xf32, #tpu.memory_space<vmem_shared>>
        tpu.enqueue_dma source(%dma_start3A_107 : memref<16x128xf32, #tpu.memory_space<vmem_shared>>) target(%dma_start3A_104 : memref<16x128xf32, #tpu.memory_space<hbm>>) target_semaphore(%run_scoped3A : memref<!tpu.dma_semaphore, #tpu.memory_space<semaphore_mem>>)
        %dma_wait3A_108 = arith.constant 0 : i32
        %dma_wait3A_109 = tpu.memref_slice %arg7[%add3A_102, %dma_wait3A_108] : memref<20000x128xf32, #tpu.memory_space<hbm>> -> memref<16x128xf32, #tpu.memory_space<hbm>>
        %dma_wait3A_110 = arith.constant 9984 : i32
        %dma_wait3A_111 = arith.constant 0 : i32
        %dma_wait3A_112 = tpu.memref_slice %arg12[%dma_wait3A_110, %dma_wait3A_111] : memref<10000x128xf32, #tpu.memory_space<vmem_shared>> -> memref<16x128xf32, #tpu.memory_space<vmem_shared>>
        tpu.wait_dma2 semaphore(%run_scoped3A : memref<!tpu.dma_semaphore, #tpu.memory_space<semaphore_mem>>) src(%dma_wait3A_112 : memref<16x128xf32, #tpu.memory_space<vmem_shared>>) dst(%dma_wait3A_109 : memref<16x128xf32, #tpu.memory_space<hbm>>)
        tpu.yield
      }) : () -> ()
    } else {
    }
    return
  }
}

module attributes {stable_mosaic.version = 14 : i64} {
  func.func @_tc_b_body(%arg0: i32, %arg1: i32, %arg2: memref<400x256xf32, #tpu.memory_space<vmem>>, %arg3: memref<256x128xf32, #tpu.memory_space<vmem>>, %arg4: memref<1x400x1xf32, #tpu.memory_space<vmem>>, %arg5: memref<1x400x1xf32, #tpu.memory_space<vmem>>, %arg6: memref<1x400x128xf32, #tpu.memory_space<vmem>>, %arg7: memref<400x1xf32, #tpu.memory_space<vmem>>) attributes {dimension_semantics = [#tpu.dimension_semantics<arbitrary>, #tpu.dimension_semantics<arbitrary>], iteration_bounds = array<i64: 2, 25>, scalar_prefetch = 0 : i64, scratch_operands = 0 : i64, tpu.core_type = #tpu.core_type<tc>, window_params = [{transform_indices = @transform_0, window_bounds = array<i64: 400, 256>}, {transform_indices = @transform_1, window_bounds = array<i64: 256, 128>}, {transform_indices = @transform_2, window_bounds = array<i64: 1, 400, 1>}, {transform_indices = @transform_3, window_bounds = array<i64: 1, 400, 1>}, {transform_indices = @transform_4, window_bounds = array<i64: 1, 400, 128>}, {transform_indices = @transform_5, window_bounds = array<i64: 400, 1>}]} {
    %get3A = arith.constant 0 : index
    %get3A_0 = arith.constant 0 : index
    %get3A_1 = arith.constant 0 : index
    %get3A_2 = vector.load %arg4[%get3A, %get3A_0, %get3A_1] : memref<1x400x1xf32, #tpu.memory_space<vmem>>, vector<1x400x1xf32>
    %get3A_3 = vector.shape_cast %get3A_2 : vector<1x400x1xf32> to vector<400x1xf32>
    %get3A_4 = arith.constant 0 : index
    %get3A_5 = arith.constant 0 : index
    %get3A_6 = arith.constant 0 : index
    %get3A_7 = vector.load %arg5[%get3A_4, %get3A_5, %get3A_6] : memref<1x400x1xf32, #tpu.memory_space<vmem>>, vector<1x400x1xf32>
    %get3A_8 = vector.shape_cast %get3A_7 : vector<1x400x1xf32> to vector<400x1xf32>
    %add3A = arith.addf %get3A_3, %get3A_8 : vector<400x1xf32>
    %add3A_9 = arith.constant 1.000000e+00 : f32
    %add3A_10 = vector.broadcast %add3A_9 : f32 to vector<400x1xf32>
    %add3A_11 = arith.addf %add3A, %add3A_10 : vector<400x1xf32>
    %rsqrt3A = math.rsqrt %add3A_11 : vector<400x1xf32>
    %get3A_12 = arith.constant 0 : index
    %get3A_13 = arith.constant 0 : index
    %get3A_14 = vector.load %arg2[%get3A_12, %get3A_13] : memref<400x256xf32, #tpu.memory_space<vmem>>, vector<400x256xf32>
    %get3A_15 = arith.constant 0 : index
    %get3A_16 = arith.constant 0 : index
    %get3A_17 = vector.load %arg3[%get3A_15, %get3A_16] : memref<256x128xf32, #tpu.memory_space<vmem>>, vector<256x128xf32>
    %dot_general3A = arith.constant dense<0.000000e+00> : vector<400x128xf32>
    %dot_general3A_18 = tpu.matmul %get3A_14, %get3A_17, %dot_general3A {dimension_numbers = #tpu.dot_dimension_numbers<[1], [0], [0], [1], [0, 0, 1, 1], [], []>, transpose_lhs_hint = false} : vector<400x256xf32>, vector<256x128xf32>, vector<400x128xf32> -> vector<400x128xf32>
    %mul3A = vector.broadcast %rsqrt3A : vector<400x1xf32> to vector<400x128xf32>
    %mul3A_19 = arith.mulf %dot_general3A_18, %mul3A : vector<400x128xf32>
    %swap3A = arith.constant 0 : index
    %swap3A_20 = arith.constant 0 : index
    %swap3A_21 = arith.constant 0 : index
    %swap3A_22 = vector.load %arg6[%swap3A, %swap3A_20, %swap3A_21] : memref<1x400x128xf32, #tpu.memory_space<vmem>>, vector<1x400x128xf32>
    %swap3A_23 = vector.shape_cast %swap3A_22 : vector<1x400x128xf32> to vector<400x128xf32>
    %swap3A_24 = vector.shape_cast %mul3A_19 : vector<400x128xf32> to vector<1x400x128xf32>
    tpu.vector_store %arg6[%swap3A, %swap3A_20, %swap3A_21], %swap3A_24 {strides = array<i32>} : memref<1x400x128xf32, #tpu.memory_space<vmem>>, vector<1x400x128xf32>,
    %swap3A_25 = arith.constant 0 : index
    %swap3A_26 = arith.constant 0 : index
    %swap3A_27 = vector.load %arg7[%swap3A_25, %swap3A_26] : memref<400x1xf32, #tpu.memory_space<vmem>>, vector<400x1xf32>
    tpu.vector_store %arg7[%swap3A_25, %swap3A_26], %rsqrt3A {strides = array<i32>} : memref<400x1xf32, #tpu.memory_space<vmem>>, vector<400x1xf32>,
    return
  }
  func.func @transform_0(%arg0: i32, %arg1: i32) -> (i32, i32) {
    %c0_i32 = arith.constant 0 : i32
    %c0_i32_0 = arith.constant 0 : i32
    return %arg1, %c0_i32 : i32, i32
  }
  func.func @transform_1(%arg0: i32, %arg1: i32) -> (i32, i32) {
    %c0_i32 = arith.constant 0 : i32
    %c0_i32_0 = arith.constant 0 : i32
    return %c0_i32, %arg0 : i32, i32
  }
  func.func @transform_2(%arg0: i32, %arg1: i32) -> (i32, i32, i32) {
    %c0_i32 = arith.constant 0 : i32
    %c0_i32_0 = arith.constant 0 : i32
    %c0_i32_1 = arith.constant 0 : i32
    return %c0_i32, %arg1, %c0_i32_0 : i32, i32, i32
  }
  func.func @transform_3(%arg0: i32, %arg1: i32) -> (i32, i32, i32) {
    %c1_i32 = arith.constant 1 : i32
    %c0_i32 = arith.constant 0 : i32
    %c0_i32_0 = arith.constant 0 : i32
    return %c1_i32, %arg1, %c0_i32 : i32, i32, i32
  }
  func.func @transform_4(%arg0: i32, %arg1: i32) -> (i32, i32, i32) {
    %c0_i32 = arith.constant 0 : i32
    %c0_i32_0 = arith.constant 0 : i32
    return %arg0, %arg1, %c0_i32 : i32, i32, i32
  }
  func.func @transform_5(%arg0: i32, %arg1: i32) -> (i32, i32) {
    %c0_i32 = arith.constant 0 : i32
    %c0_i32_0 = arith.constant 0 : i32
    return %arg1, %c0_i32 : i32, i32
  }
}

module attributes {stable_mosaic.version = 14 : i64} {
  func.func @_tc_d_body(%arg0: i32, %arg1: memref<1x400x128xf32, #tpu.memory_space<vmem>>, %arg2: memref<1x400x128xf32, #tpu.memory_space<vmem>>, %arg3: memref<1x400x128xf32, #tpu.memory_space<vmem>>, %arg4: memref<1x400x128xf32, #tpu.memory_space<vmem>>, %arg5: memref<400x1xf32, #tpu.memory_space<vmem>>, %arg6: memref<1x256xf32, #tpu.memory_space<vmem>>, %arg7: memref<256x128xf32, #tpu.memory_space<vmem>>, %arg8: memref<400x128xf32, #tpu.memory_space<vmem>>) attributes {dimension_semantics = [#tpu.dimension_semantics<arbitrary>], iteration_bounds = array<i64: 25>, scalar_prefetch = 0 : i64, scratch_operands = 0 : i64, tpu.core_type = #tpu.core_type<tc>, window_params = [{transform_indices = @transform_0, window_bounds = array<i64: 1, 400, 128>}, {transform_indices = @transform_1, window_bounds = array<i64: 1, 400, 128>}, {transform_indices = @transform_2, window_bounds = array<i64: 1, 400, 128>}, {transform_indices = @transform_3, window_bounds = array<i64: 1, 400, 128>}, {transform_indices = @transform_4, window_bounds = array<i64: 400, 1>}, {pipeline_mode = #tpu.pipeline_mode<synchronous>, transform_indices = @transform_5, window_bounds = array<i64: 1, 256>}, {pipeline_mode = #tpu.pipeline_mode<synchronous>, transform_indices = @transform_6, window_bounds = array<i64: 256, 128>}, {transform_indices = @transform_7, window_bounds = array<i64: 400, 128>}]} {
    %get3A = arith.constant 0 : index
    %get3A_0 = arith.constant 0 : index
    %get3A_1 = vector.load %arg5[%get3A, %get3A_0] : memref<400x1xf32, #tpu.memory_space<vmem>>, vector<400x1xf32>
    %get3A_2 = arith.constant 0 : index
    %get3A_3 = arith.constant 0 : index
    %get3A_4 = vector.load %arg6[%get3A_2, %get3A_3] : memref<1x256xf32, #tpu.memory_space<vmem>>, vector<1x256xf32>
    %get3A_5 = arith.constant 0 : index
    %get3A_6 = arith.constant 0 : index
    %get3A_7 = arith.constant 0 : index
    %get3A_8 = vector.load %arg1[%get3A_5, %get3A_6, %get3A_7] : memref<1x400x128xf32, #tpu.memory_space<vmem>>, vector<1x400x128xf32>
    %get3A_9 = vector.shape_cast %get3A_8 : vector<1x400x128xf32> to vector<400x128xf32>
    %get3A_10 = arith.constant 0 : index
    %get3A_11 = arith.constant 0 : index
    %get3A_12 = arith.constant 0 : index
    %get3A_13 = vector.load %arg3[%get3A_10, %get3A_11, %get3A_12] : memref<1x400x128xf32, #tpu.memory_space<vmem>>, vector<1x400x128xf32>
    %get3A_14 = vector.shape_cast %get3A_13 : vector<1x400x128xf32> to vector<400x128xf32>
    %add3A = arith.addf %get3A_9, %get3A_14 : vector<400x128xf32>
    %mul3A = vector.broadcast %get3A_1 : vector<400x1xf32> to vector<400x128xf32>
    %mul3A_15 = arith.mulf %add3A, %mul3A : vector<400x128xf32>
    %slice3A = vector.extract_strided_slice %get3A_4 {offsets = [0, 0], sizes = [1, 128], strides = [1, 1]} : vector<1x256xf32> to vector<1x128xf32>
    %add3A_16 = vector.broadcast %slice3A : vector<1x128xf32> to vector<400x128xf32>
    %add3A_17 = arith.addf %mul3A_15, %add3A_16 : vector<400x128xf32>
    %max3A = arith.constant 0.000000e+00 : f32
    %max3A_18 = vector.broadcast %max3A : f32 to vector<400x128xf32>
    %max3A_19 = arith.maximumf %add3A_17, %max3A_18 : vector<400x128xf32>
    %get3A_20 = arith.constant 0 : index
    %get3A_21 = arith.constant 0 : index
    %get3A_22 = arith.constant 0 : index
    %get3A_23 = vector.load %arg2[%get3A_20, %get3A_21, %get3A_22] : memref<1x400x128xf32, #tpu.memory_space<vmem>>, vector<1x400x128xf32>
    %get3A_24 = vector.shape_cast %get3A_23 : vector<1x400x128xf32> to vector<400x128xf32>
    %get3A_25 = arith.constant 0 : index
    %get3A_26 = arith.constant 0 : index
    %get3A_27 = arith.constant 0 : index
    %get3A_28 = vector.load %arg4[%get3A_25, %get3A_26, %get3A_27] : memref<1x400x128xf32, #tpu.memory_space<vmem>>, vector<1x400x128xf32>
    %get3A_29 = vector.shape_cast %get3A_28 : vector<1x400x128xf32> to vector<400x128xf32>
    %add3A_30 = arith.addf %get3A_24, %get3A_29 : vector<400x128xf32>
    %mul3A_31 = vector.broadcast %get3A_1 : vector<400x1xf32> to vector<400x128xf32>
    %mul3A_32 = arith.mulf %add3A_30, %mul3A_31 : vector<400x128xf32>
    %slice3A_33 = vector.extract_strided_slice %get3A_4 {offsets = [0, 128], sizes = [1, 128], strides = [1, 1]} : vector<1x256xf32> to vector<1x128xf32>
    %add3A_34 = vector.broadcast %slice3A_33 : vector<1x128xf32> to vector<400x128xf32>
    %add3A_35 = arith.addf %mul3A_32, %add3A_34 : vector<400x128xf32>
    %max3A_36 = arith.constant 0.000000e+00 : f32
    %max3A_37 = vector.broadcast %max3A_36 : f32 to vector<400x128xf32>
    %max3A_38 = arith.maximumf %add3A_35, %max3A_37 : vector<400x128xf32>
    %get3A_39 = arith.constant 0 : index
    %get3A_40 = arith.constant 0 : index
    %get3A_41 = vector.load %arg7[%get3A_39, %get3A_40] : memref<256x128xf32, #tpu.memory_space<vmem>>, vector<256x128xf32>
    %slice3A_42 = vector.extract_strided_slice %get3A_41 {offsets = [0, 0], sizes = [128, 128], strides = [1, 1]} : vector<256x128xf32> to vector<128x128xf32>
    %dot_general3A = arith.constant dense<0.000000e+00> : vector<400x128xf32>
    %dot_general3A_43 = tpu.matmul %max3A_19, %slice3A_42, %dot_general3A {dimension_numbers = #tpu.dot_dimension_numbers<[1], [0], [0], [1], [0, 0, 1, 1], [], []>, transpose_lhs_hint = false} : vector<400x128xf32>, vector<128x128xf32>, vector<400x128xf32> -> vector<400x128xf32>
    %slice3A_44 = vector.extract_strided_slice %get3A_41 {offsets = [128, 0], sizes = [128, 128], strides = [1, 1]} : vector<256x128xf32> to vector<128x128xf32>
    %dot_general3A_45 = arith.constant dense<0.000000e+00> : vector<400x128xf32>
    %dot_general3A_46 = tpu.matmul %max3A_38, %slice3A_44, %dot_general3A_45 {dimension_numbers = #tpu.dot_dimension_numbers<[1], [0], [0], [1], [0, 0, 1, 1], [], []>, transpose_lhs_hint = false} : vector<400x128xf32>, vector<128x128xf32>, vector<400x128xf32> -> vector<400x128xf32>
    %add3A_47 = arith.addf %dot_general3A_43, %dot_general3A_46 : vector<400x128xf32>
    %mul3A_48 = vector.broadcast %get3A_1 : vector<400x1xf32> to vector<400x128xf32>
    %mul3A_49 = arith.mulf %add3A_47, %mul3A_48 : vector<400x128xf32>
    %swap3A = arith.constant 0 : index
    %swap3A_50 = arith.constant 0 : index
    %swap3A_51 = vector.load %arg8[%swap3A, %swap3A_50] : memref<400x128xf32, #tpu.memory_space<vmem>>, vector<400x128xf32>
    tpu.vector_store %arg8[%swap3A, %swap3A_50], %mul3A_49 {strides = array<i32>} : memref<400x128xf32, #tpu.memory_space<vmem>>, vector<400x128xf32>,
    return
  }
  func.func @transform_0(%arg0: i32) -> (i32, i32, i32) {
    %c0_i32 = arith.constant 0 : i32
    %c0_i32_0 = arith.constant 0 : i32
    %c0_i32_1 = arith.constant 0 : i32
    return %c0_i32, %arg0, %c0_i32_0 : i32, i32, i32
  }
  func.func @transform_1(%arg0: i32) -> (i32, i32, i32) {
    %c1_i32 = arith.constant 1 : i32
    %c0_i32 = arith.constant 0 : i32
    %c0_i32_0 = arith.constant 0 : i32
    return %c1_i32, %arg0, %c0_i32 : i32, i32, i32
  }
  func.func @transform_2(%arg0: i32) -> (i32, i32, i32) {
    %c0_i32 = arith.constant 0 : i32
    %c0_i32_0 = arith.constant 0 : i32
    %c0_i32_1 = arith.constant 0 : i32
    return %c0_i32, %arg0, %c0_i32_0 : i32, i32, i32
  }
  func.func @transform_3(%arg0: i32) -> (i32, i32, i32) {
    %c1_i32 = arith.constant 1 : i32
    %c0_i32 = arith.constant 0 : i32
    %c0_i32_0 = arith.constant 0 : i32
    return %c1_i32, %arg0, %c0_i32 : i32, i32, i32
  }
  func.func @transform_4(%arg0: i32) -> (i32, i32) {
    %c0_i32 = arith.constant 0 : i32
    %c0_i32_0 = arith.constant 0 : i32
    return %arg0, %c0_i32 : i32, i32
  }
  func.func @transform_5(%arg0: i32) -> (i32, i32) {
    %c0_i32 = arith.constant 0 : i32
    %c0_i32_0 = arith.constant 0 : i32
    %c0_i32_1 = arith.constant 0 : i32
    return %c0_i32, %c0_i32_0 : i32, i32
  }
  func.func @transform_6(%arg0: i32) -> (i32, i32) {
    %c0_i32 = arith.constant 0 : i32
    %c0_i32_0 = arith.constant 0 : i32
    %c0_i32_1 = arith.constant 0 : i32
    return %c0_i32, %c0_i32_0 : i32, i32
  }
  func.func @transform_7(%arg0: i32) -> (i32, i32) {
    %c0_i32 = arith.constant 0 : i32
    %c0_i32_0 = arith.constant 0 : i32
    return %arg0, %c0_i32 : i32, i32
  }
}

module attributes {stable_mosaic.version = 14 : i64} {
  func.func @_tc_f_body(%arg0: i32, %arg1: memref<1x400x128xf32, #tpu.memory_space<vmem>>, %arg2: memref<1x400x128xf32, #tpu.memory_space<vmem>>, %arg3: memref<400x128xf32, #tpu.memory_space<vmem>>, %arg4: memref<400x1xf32, #tpu.memory_space<vmem>>, %arg5: memref<1x128xf32, #tpu.memory_space<vmem>>, %arg6: memref<400x128xf32, #tpu.memory_space<vmem>>) attributes {dimension_semantics = [#tpu.dimension_semantics<arbitrary>], iteration_bounds = array<i64: 25>, scalar_prefetch = 0 : i64, scratch_operands = 0 : i64, tpu.core_type = #tpu.core_type<tc>, window_params = [{transform_indices = @transform_0, window_bounds = array<i64: 1, 400, 128>}, {transform_indices = @transform_1, window_bounds = array<i64: 1, 400, 128>}, {transform_indices = @transform_2, window_bounds = array<i64: 400, 128>}, {transform_indices = @transform_3, window_bounds = array<i64: 400, 1>}, {pipeline_mode = #tpu.pipeline_mode<synchronous>, transform_indices = @transform_4, window_bounds = array<i64: 1, 128>}, {transform_indices = @transform_5, window_bounds = array<i64: 400, 128>}]} {
    %get3A = arith.constant 0 : index
    %get3A_0 = arith.constant 0 : index
    %get3A_1 = arith.constant 0 : index
    %get3A_2 = vector.load %arg1[%get3A, %get3A_0, %get3A_1] : memref<1x400x128xf32, #tpu.memory_space<vmem>>, vector<1x400x128xf32>
    %get3A_3 = vector.shape_cast %get3A_2 : vector<1x400x128xf32> to vector<400x128xf32>
    %get3A_4 = arith.constant 0 : index
    %get3A_5 = arith.constant 0 : index
    %get3A_6 = arith.constant 0 : index
    %get3A_7 = vector.load %arg2[%get3A_4, %get3A_5, %get3A_6] : memref<1x400x128xf32, #tpu.memory_space<vmem>>, vector<1x400x128xf32>
    %get3A_8 = vector.shape_cast %get3A_7 : vector<1x400x128xf32> to vector<400x128xf32>
    %add3A = arith.addf %get3A_3, %get3A_8 : vector<400x128xf32>
    %get3A_9 = arith.constant 0 : index
    %get3A_10 = arith.constant 0 : index
    %get3A_11 = vector.load %arg3[%get3A_9, %get3A_10] : memref<400x128xf32, #tpu.memory_space<vmem>>, vector<400x128xf32>
    %add3A_12 = arith.addf %add3A, %get3A_11 : vector<400x128xf32>
    %get3A_13 = arith.constant 0 : index
    %get3A_14 = arith.constant 0 : index
    %get3A_15 = vector.load %arg4[%get3A_13, %get3A_14] : memref<400x1xf32, #tpu.memory_space<vmem>>, vector<400x1xf32>
    %mul3A = vector.broadcast %get3A_15 : vector<400x1xf32> to vector<400x128xf32>
    %mul3A_16 = arith.mulf %add3A_12, %mul3A : vector<400x128xf32>
    %get3A_17 = arith.constant 0 : index
    %get3A_18 = arith.constant 0 : index
    %get3A_19 = vector.load %arg5[%get3A_17, %get3A_18] : memref<1x128xf32, #tpu.memory_space<vmem>>, vector<1x128xf32>
    %add3A_20 = vector.broadcast %get3A_19 : vector<1x128xf32> to vector<400x128xf32>
    %add3A_21 = arith.addf %mul3A_16, %add3A_20 : vector<400x128xf32>
    %mul3A_22 = arith.mulf %add3A_21, %add3A_21 : vector<400x128xf32>
    %reduce_sum3A = arith.constant dense<0.000000e+00> : vector<400xf32>
    %reduce_sum3A_23 = vector.multi_reduction <add>, %mul3A_22, %reduce_sum3A [1] : vector<400x128xf32> to vector<400xf32>
    %broadcast_in_dim3A = vector.shape_cast %reduce_sum3A_23 : vector<400xf32> to vector<400x1xf32>
    %sqrt3A = math.sqrt %broadcast_in_dim3A : vector<400x1xf32>
    %max3A = arith.constant 9.99999996E-13 : f32
    %max3A_24 = vector.broadcast %max3A : f32 to vector<400x1xf32>
    %max3A_25 = arith.maximumf %sqrt3A, %max3A_24 : vector<400x1xf32>
    %div3A = vector.broadcast %max3A_25 : vector<400x1xf32> to vector<400x128xf32>
    %div3A_26 = arith.divf %add3A_21, %div3A : vector<400x128xf32>
    %swap3A = arith.constant 0 : index
    %swap3A_27 = arith.constant 0 : index
    %swap3A_28 = vector.load %arg6[%swap3A, %swap3A_27] : memref<400x128xf32, #tpu.memory_space<vmem>>, vector<400x128xf32>
    tpu.vector_store %arg6[%swap3A, %swap3A_27], %div3A_26 {strides = array<i32>} : memref<400x128xf32, #tpu.memory_space<vmem>>, vector<400x128xf32>,
    return
  }
  func.func @transform_0(%arg0: i32) -> (i32, i32, i32) {
    %c0_i32 = arith.constant 0 : i32
    %c0_i32_0 = arith.constant 0 : i32
    %c0_i32_1 = arith.constant 0 : i32
    return %c0_i32, %arg0, %c0_i32_0 : i32, i32, i32
  }
  func.func @transform_1(%arg0: i32) -> (i32, i32, i32) {
    %c1_i32 = arith.constant 1 : i32
    %c0_i32 = arith.constant 0 : i32
    %c0_i32_0 = arith.constant 0 : i32
    return %c1_i32, %arg0, %c0_i32 : i32, i32, i32
  }
  func.func @transform_2(%arg0: i32) -> (i32, i32) {
    %c0_i32 = arith.constant 0 : i32
    %c0_i32_0 = arith.constant 0 : i32
    return %arg0, %c0_i32 : i32, i32
  }
  func.func @transform_3(%arg0: i32) -> (i32, i32) {
    %c0_i32 = arith.constant 0 : i32
    %c0_i32_0 = arith.constant 0 : i32
    return %arg0, %c0_i32 : i32, i32
  }
  func.func @transform_4(%arg0: i32) -> (i32, i32) {
    %c0_i32 = arith.constant 0 : i32
    %c0_i32_0 = arith.constant 0 : i32
    %c0_i32_1 = arith.constant 0 : i32
    return %c0_i32, %c0_i32_0 : i32, i32
  }
  func.func @transform_5(%arg0: i32) -> (i32, i32) {
    %c0_i32 = arith.constant 0 : i32
    %c0_i32_0 = arith.constant 0 : i32
    return %arg0, %c0_i32 : i32, i32
  }
}

</mosaic_0001>

<sc_bundles>
// kernel: kernel.11.cloned.1.call-start
scs
__scs_entry_jumppad:
0x0: {  	(pc) =	sbr.rel $0x88, $3  }
0x1: {  	(tag) =	ssettag $0x0;
	lr =	simm.s32 $0x1  }
0x2: {  	[smem:$0x3F9A] =	sst lr;
	_ =	strace $0xD0000000  }
0x3: {  	_ = 	snop  }
0x4: {  	_ = 	snop  }
0x5: {  	_ = 	snop  }
0x6: {  	_ = 	snop  }
0x7: {  	_ = 	snop  }
__scs_overlays_trampoline_lowered:
0x8: {  	[smem:$0x3FA9] =	sst s0  }
0x9: {  	[smem:$0x3FAA] =	sst s1  }
0xa: {  	[smem:$0x3FAB] =	sst s2  }
0xb: {  	[smem:$0x3FAC] =	sst s3  }
0xc: {  	[smem:$0x3FAD] =	sst s4  }
0xd: {  	[smem:$0x3FAE] =	sst s5  }
0xe: {  	[smem:$0x3FAF] =	sst s6  }
0xf: {  	[smem:$0x3FB0] =	sst s7  }
0x10: {  	[smem:$0x3FB1] =	sst s8  }
0x11: {  	[smem:$0x3FB2] =	sst s9;
	s0 =	simm.s32 @!p0 $0x0  }
0x12: {  	s1 =	sld [smem:$0x3F98];
	s0 =	simm.s32 @p0 $0x1  }
0x13: {  	[smem:$0x3FB3] =	sst s0;
	s0 =	simm.s32 @!p1 $0x0  }
0x14: {  	s2 =	sld [smem:$0x3F97];
	s0 =	simm.s32 @p1 $0x1  }
0x15: {  	[smem:$0x3FB4] =	sst s0;
	s0 =	simm.s32 @!p2 $0x0  }
0x16: {  	s3 =	sld [smem:$0x3FDB];
	s0 =	simm.s32 @p2 $0x1  }
0x17: {  	s4 =	simm.s32 $0x1BF5;
	[smem:$0x3FB6] =	sst s0  }
0x18: {  	s0 =	sld [smem:$0x3F99];
	_ =	swait.ge [sflag:s4], $0x0  }
0x19: {  	s7 =	sld [smem:$0x3F9A]  }
0x1a: {  	s8 =	sadd.s32 $0xFFFFE003, lr  }
0x1b: {  	s9 =	sadd.s32 $0xFFFFFEF7, lr;
	s5 =	simm.s32 $0xFFFFFFFF;
	p2 =	slt.u32 s8, $0xFFFFF086  }
0x1c: {  	p1 =	slt.u32 s9, $0xF7A;
	s5 =	simm.s32 @!p2 $0x0  }
0x1d: {  	s5 =	simm.s32 @p1 $0x1;
	p0 =	seq.s32 s7, s2  }
0x1e: {  	s7 =	smul.u32 @!p0 $0xF7A, s2;
	p2 =	seq.s32 @!p0 s5, $0x0  }
0x1f: {  	s9 =	smul.u32 $0xF7A, s1;
	s8 =	simm.s32 @!p0 $0x1BF5;
	p2 =	por !p2, p0  }
0x20: {  	[sflag:s8] =	ssyncset.s32 @!p0 $0xFFFFF086;
	s6 =	sadd.s32 @!p0 s3, s7;
	s7 =	simm.s32 @!p0 $0x108  }
0x21: {  	s3 =	sadd.s32 s3, s9;
	s6 =	sadd.s32 @!p0 $0x88, s6;
	s7 =	simm.s32 @p2 $0x1082  }
0x22: {  	[simem:s7], [sflag:s8] =	dma.local @!p0 [hbm:s6], $0xF7A  }
0x23: {  	s9 =	sor.u32 $0xD0000000, s2;
	s6 =	simm.s32 $0x108;
	_ =	swait.ge @!p0 [sflag:s8], $0x0  }
0x24: {  	s3 =	sadd.s32 $0x88, s3;
	s6 =	simm.s32 @!p1 $0x1082;
	[sflag:s4] =	ssyncset.s32 $0xFFFFF086  }
0x25: {  	[simem:s6], [sflag:s4] =	dma.local [hbm:s3], $0xF7A  }
0x26: {  	[smem:$0x3F9A] =	sst s1;
	(tag) =	ssettag s2;
	_ =	strace s9  }
0x27: {  	s1 =	sld [smem:$0x3FAA]  }
0x28: {  	s2 =	sld [smem:$0x3FAB]  }
0x29: {  	s4 =	sld [smem:$0x3FAD]  }
0x2a: {  	p0 =	seq.s32 s5, $0x0;
	s5 =	sld [smem:$0x3FAE]  }
0x2b: {  	s6 =	sld [smem:$0x3FAF]  }
0x2c: {  	s7 =	sld [smem:$0x3FB0]  }
0x2d: {  	s3 =	simm.s32 $0x108;
	s8 =	sld [smem:$0x3FB1]  }
0x2e: {  	s3 =	simm.s32 @!p0 $0x1082;
	s9 =	sld [smem:$0x3FB2]  }
0x2f: {  	lr =	sadd.s32 s0, s3;
	s0 =	sld [smem:$0x3FA9]  }
0x30: {  	s3 =	sld [smem:$0x3FAC]  }
0x31: {  	[smem:$0x3FB5] =	sst s10  }
0x32: {  	s10 =	sld [smem:$0x3FB3];
	_ =	sdelay $0x3  }
0x33: {  	p0 =	seq.s32 s10, $0x1;
	s10 =	sld [smem:$0x3FB5];
	_ =	sdelay $0x3  }
0x34: {  	[smem:$0x3FB5] =	sst s10  }
0x35: {  	s10 =	sld [smem:$0x3FB4];
	_ =	sdelay $0x3  }
0x36: {  	p1 =	seq.s32 s10, $0x1;
	s10 =	sld [smem:$0x3FB5];
	_ =	sdelay $0x3  }
0x37: {  	[smem:$0x3FB5] =	sst s10  }
0x38: {  	s10 =	sld [smem:$0x3FB6]  }
0x39: {  	_ = 	snop;
	(pc) =	sbr.ind lr, $3  }
0x3a: {  	_ = 	snop  }
0x3b: {  	_ = 	snop  }
0x3c: {  	p2 =	seq.s32 s10, $0x1;
	s10 =	sld [smem:$0x3FB5]  }
0x3d: {  	_ =	shalt  }
0x3e: {  	_ =	shalt  }
0x3f: {  	_ =	shalt  }
0x40: {  	_ =	shalt  }
0x41: {  	_ =	shalt  }
0x42: {  	_ =	shalt  }
0x43: {  	_ =	shalt  }
0x44: {  	_ =	shalt  }
0x45: {  	_ =	shalt  }
0x46: {  	_ =	shalt  }
0x47: {  	_ =	shalt  }
0x48: {  	_ =	shalt  }
0x49: {  	_ =	shalt  }
0x4a: {  	_ =	shalt  }
0x4b: {  	_ =	shalt  }
0x4c: {  	_ =	shalt  }
0x4d: {  	_ =	shalt  }
0x4e: {  	_ =	shalt  }
0x4f: {  	_ =	shalt  }
0x50: {  	_ =	shalt  }
0x51: {  	_ =	shalt  }
0x52: {  	_ =	shalt  }
0x53: {  	_ =	shalt  }
0x54: {  	_ =	shalt  }
0x55: {  	_ =	shalt  }
0x56: {  	_ =	shalt  }
0x57: {  	_ =	shalt  }
0x58: {  	_ =	shalt  }
0x59: {  	_ =	shalt  }
0x5a: {  	_ =	shalt  }
0x5b: {  	_ =	shalt  }
0x5c: {  	_ =	shalt  }
0x5d: {  	_ =	shalt  }
0x5e: {  	_ =	shalt  }
0x5f: {  	_ =	shalt  }
0x60: {  	_ =	shalt  }
0x61: {  	_ =	shalt  }
0x62: {  	_ =	shalt  }
0x63: {  	_ =	shalt  }
0x64: {  	_ =	shalt  }
0x65: {  	_ =	shalt  }
0x66: {  	_ =	shalt  }
0x67: {  	_ =	shalt  }
0x68: {  	_ =	shalt  }
0x69: {  	_ =	shalt  }
0x6a: {  	_ =	shalt  }
0x6b: {  	_ =	shalt  }
0x6c: {  	_ =	shalt  }
0x6d: {  	_ =	shalt  }
0x6e: {  	_ =	shalt  }
0x6f: {  	_ =	shalt  }
0x70: {  	_ =	shalt  }
0x71: {  	_ =	shalt  }
0x72: {  	_ =	shalt  }
0x73: {  	_ =	shalt  }
0x74: {  	_ =	shalt  }
0x75: {  	_ =	shalt  }
0x76: {  	_ =	shalt  }
0x77: {  	_ =	shalt  }
0x78: {  	_ =	shalt  }
0x79: {  	_ =	shalt  }
0x7a: {  	_ =	shalt  }
0x7b: {  	_ =	shalt  }
0x7c: {  	_ =	shalt  }
0x7d: {  	_ =	shalt  }
0x7e: {  	_ =	shalt  }
0x7f: {  	_ =	shalt  }
0x80: {  	_ =	shalt  }
0x81: {  	_ =	shalt  }
0x82: {  	_ =	shalt  }
0x83: {  	_ =	shalt  }
0x84: {  	_ =	shalt  }
0x85: {  	_ =	shalt  }
0x86: {  	_ =	shalt  }
0x87: {  	_ =	shalt  }
.Lfunc_end0:
.L_simem_size_0:
called_computation.1_lowered:
.L_overlay_start_0:
0x88: {  	s2 =	sld [smem:$0x3FD9]  }
0x89: {  	s3 =	sld [smem:$0x3FFE];
	_ =	sdelay $0x1  }
0x8a: {  	s1 =	srdreg.scid  }
0x8b: {  	s0 =	sand.u32 $0x1, s1  }
0x8c: {  	s17 =	sshll.u32 s0, $0xA;
	s2 =	sadd.s32 s3, s2  }
0x8d: {  	s2 =	sadd.s32 s2, s17  }
0x8e: {  	[smem:$0x3FC1] =	sst s2  }
0x8f: {  	_ = 	snop  }
0x90: {  	s2 =	sld [smem:$0x3FD0];
	(tm) =	ssettm $0x1  }
0x91: {  	s18 =	sld [smem:$0x3FFB];
	_ =	sdelay $0x3  }
0x92: {  	_ =	strace s18  }
0x93: {  	s3 =	sld [smem:$0x3FFC];
	_ =	sdelay $0x3  }
0x94: {  	_ =	strace s3  }
0x95: {  	s3 =	sld [smem:$0x3FFD];
	_ =	sdelay $0x3  }
0x96: {  	_ =	strace s3  }
0x97: {  	_ =	strace $0x8FFFFFFF  }
0x98: {  	s19 =	sld [smem:$0x3FDB];
	_ =	sdelay $0x1  }
0x99: {  	s4 =	simm.s32 $_scs_section_size  }
0x9a: {  	s5 =	simm.s32 $_size__tile_overlayer_lowered;
	s6 =	simm.s32 $_tile_overlayer_lowered  }
0x9b: {  	s22 =	simm.s32 $0x1BFF;
	s21 =	sshll.u32 s6, $0x1;
	s3 =	sadd.s32 s4, s19  }
0x9c: {  	s7 =	simm.s32 $0x0;
	s20 =	sshll.u32 s5, $0x1;
	s5 =	sadd.s32 s21, s3  }
0x9d: {  	[timem:s7], [sflag:s22] =	dma.local [hbm:s5], s20  }
0x9e: {  	_ =	swait.ge [sflag:s22], s20  }
0x9f: {  	s4 =	ssub.s32 $0x0, s20;
	[sflag:s22] =	ssyncset.done $0x0  }
0xa0: {  	[sflag:s22] =	ssyncadd.s32 s4;
	_ =	sdelay $0x1  }
0xa1: {  	s23 =	simm.s32 $0x1B8B  }
0xa2: {  	_ =	swait.ge [sflag:s23], $0x1  }
0xa3: {  	[sflag:s23] =	ssyncset.done $0x0  }
0xa4: {  	s25 =	simm.s32 $0x1B8E;
	s24 =	sld [smem:$0x3FFE];
	[sflag:s23] =	ssyncadd.s32 $0xFFFFFFFF  }
0xa5: {  	s26 =	simm.s32 $execute0_lowered;
	[smem:$0x3FD2] =	sst s25  }
0xa6: {  	s5 =	sshll.u32 s26, $0x1;
	_ =	strace $0x80000049;
	[dreg:$0x1] =	wrdreg $0xFFFFFFFF  }
0xa7: {  	s28 =	simm.s32 $_size_execute0_lowered;
	s3 =	sadd.s32 s3, s5;
	[dreg:$0x0] =	wrdreg $0x0  }
0xa8: {  	s5 =	sshll.u32 s28, $0x1;
	[dreg:$0x2] =	wrdreg s3  }
0xa9: {  	[dreg:$0x3] =	wrdreg s5  }
0xaa: {  	[dreg:$0x4] =	wrdreg $0xC0  }
0xab: {  	_ =	task [dreg:s7], $0x5FFFF  }
0xac: {  	[dreg:$0x1] =	wrdreg $0xFFFFFFFF  }
0xad: {  	[dreg:$0x0] =	wrdreg $0x60  }
0xae: {  	[dreg:$0x2] =	wrdreg s24  }
0xaf: {  	[dreg:$0x3] =	wrdreg s2  }
0xb0: {  	[dreg:$0x4] =	wrdreg $0xC1800  }
0xb1: {  	[dreg:$0x5] =	wrdreg $0x9  }
0xb2: {  	_ =	task.clear_ibuf [dreg:s7], $0x6FFFF;
	_ =	strace $0x90000049  }
0xb3: {  	s29 =	simm.s32 $0x9;
	_ =	strace $0x8000004B  }
0xb4: {  	_ =	swait.ge [sflag:s29], $0x1  }
0xb5: {  	[sflag:s29] =	ssyncadd.s32 $0xFFFFFFFF  }
0xb6: {  	_ =	strace $0x9000004B  }
0xb7: {  	_ =	sfence  }
0xb8: {  	s30 =	sld [smem:$0x0];
	_ =	sdelay $0x2  }
0xb9: {  	s31 =	sshll.u32 s1, $0xD;
	s1 =	sshrl.u32 s1, $0x2  }
0xba: {  	s3 =	sand.u32 $0x4000, s31;
	s1 =	sadd.s32 s1, s30  }
0xbb: {  	s0 =	sor.u32 s3, s0;
	s1 =	sshll.u32 s1, $0x11  }
0xbc: {  	s0 =	sor.u32 s1, s0  }
0xbd: {  	s0 =	sadd.s32 $0x8F2B, s0  }
0xbe: {  	[sflag:s0] =	ssyncadd.remote.s32 $0x1  }
0xbf: {  	_ =	sfence.sel $0xFFFF  }
0xc0: {  	[dreg:$0x0] =	wrdreg $0xFFFFFFFF;
	(pc) =	sbr.abs _section_cstart, $3  }
0xc1: {  	[dreg:$0x1] =	wrdreg $0xFFFFFFFF  }
0xc2: {  	_ =	task.clear_ibuf [dreg:s7], $0x2FFFF;
	_ =	strace $0x9FFFFFFF  }
0xc3: {  	(tm) =	ssettm $0x7FFFFFFF  }
tec
execute0_lowered:
.L_overlay_start_1:
0x0: {  	(tag) =	ssettag $0x1  }
0x1: {  	s0 =	rddreg [dreg:$0x0]  }
0x2: {  	s3 =	rddreg [dreg:$0x1]  }
0x3: {  	s5 =	rddreg [dreg:$0x2]  }
0x4: {  	s1 =	srdreg.scid;
	s8 =	stileid.u32  }
0x5: {  	s17 =	simm.s32 $0x6A00;
	s18 =	simm.s32 $0x6B00;
	s19 =	simm.s32 $0x6C00  }
0x6: {  	s20 =	simm.s32 $0x6D00;
	s28 =	simm.s32 $0x6F80;
	s29 =	simm.s32 $0x7080  }
0x7: {  	s30 =	simm.s32 $0x50;
	s31 =	simm.s32 $0x7180;
	s7 =	smul.u32 $0x5000, s8  }
0x8: {  	s6 =	sand.u32 $0x1, s1;
	s1 =	simm.s32 $0x0;
	s11 =	smul.u32 $0x4E000, s8  }
0x9: {  	s4 =	sshll.u32 s8, $0xB;
	s13 =	smul.u32 $0x2700, s8;
	s23 =	sshll.u32 s8, $0x6  }
0xa: {  	s14 =	sshrl.u32 s8, $0x3;
	s24 =	sshll.u32 s8, $0x7;
	s2 =	smul.u32 $0x4F00, s6  }
0xb: {  	p0 =	sne.s32 s8, $0x0;
	[smem:$0x7FF] =	sst s1;
	s14 =	smul.u32 $0x13C00, s14  }
0xc: {  	s9 =	sadd.s32 s4, s0;
	s21 =	ssub.s32 $0x2, s6;
	s16 =	smul.u32 $0x27100, s6  }
0xd: {  	s4 =	sor.u32 $0x1C03, s23;
	s25 =	sand.u32 $0x380, s24;
	s6 =	smul.u32 $0x138800, s6  }
0xe: {  	s23 =	simm.s32 $0x6F00;
	_ =	strace $0x8000004A;
	[dreg:$0x6] =	wrdreg s17  }
0xf: {  	s24 =	simm.s32 $0x7000;
	s7 =	sadd.s32 s7, s0;
	[dreg:$0x7] =	wrdreg s18  }
0x10: {  	s12 =	sshrl.u32 s21, $0x1;
	s22 =	sshrl.u32 s11, $0x2;
	[dreg:$0x8] =	wrdreg s19  }
0x11: {  	s15 =	sadd.s32 s3, s13;
	s3 =	sadd.s32 $0x27000, s3;
	[dreg:$0x9] =	wrdreg s20  }
0x12: {  	s9 =	sadd.s32 $0x11A00, s9;
	s18 =	simm.s32 $0x6780;
	[dreg:$0xb] =	wrdreg s23  }
0x13: {  	s20 =	simm.s32 $0x6880;
	[dreg:$0xc] =	wrdreg s24;
	s23 =	simm.s32 $0x6B80  }
0x14: {  	s24 =	simm.s32 $0x6C80;
	s10 =	sadd.s32 s2, s0;
	s2 =	sadd.s32 $0x73800, s0  }
0x15: {  	s0 =	sadd.s32 $0xC1A00, s0;
	s12 =	ssub.s32 s21, s12;
	[dreg:$0xf] =	wrdreg s15  }
0x16: {  	s11 =	sadd.s32 s22, s5;
	s5 =	sadd.s32 $0x138000, s5;
	[dreg:$0x10] =	wrdreg s3  }
0x17: {  	[dreg:$0x11] =	wrdreg s9;
	s3 =	sor.u32 s25, s14;
	s13 =	sadd.s32 s13, s16  }
0x18: {  	s6 =	sshrl.u32 s6, $0x3;
	s7 =	sadd.s32 $0x19A00, s7;
	s15 =	simm.s32 $0x6800  }
0x19: {  	s16 =	simm.s32 $0x6900;
	s21 =	simm.s32 $0x6E00;
	[dreg:$0x4] =	wrdreg s15  }
0x1a: {  	s25 =	simm.s32 $0x7100;
	s26 =	sadd.s32 $0x69A00, s10;
	[dreg:$0x5] =	wrdreg s16  }
0x1b: {  	s3 =	sshrl.u32 s3, $0x3;
	s10 =	sadd.s32 s0, s13;
	[dreg:$0xa] =	wrdreg s21  }
0x1c: {  	s0 =	sadd.s32 s0, s6;
	s14 =	smax.u32 s12, $0x1;
	[dreg:$0xd] =	wrdreg s25  }
0x1d: {  	s6 =	sshrl.u32 s11, $0x3;
	s12 =	simm.s32 $0x3;
	[dreg:$0x12] =	wrdreg s10  }
0x1e: {  	s8 =	sshrl.u32 @!p0 s5, $0x3;
	s22 =	sadd.s32 $0x80, s7;
	[dreg:$0x14] =	wrdreg s14  }
0x1f: {  	s21 =	simm.s32 $0x6980;
	s25 =	simm.s32 $0x6D80;
	[dreg:$0x17] =	wrdreg s22  }
0x20: {  	s15 =	simm.s32 $0x2;
	s0 =	sadd.s32 $0x27000, s0;
	[dreg:$0x15] =	wrdreg s8  }
0x21: {  	s16 =	simm.s32 $0x0;
	s3 =	sadd.s32 s3, s26;
	[dreg:$0x13] =	wrdreg s0  }
0x22: {  	s22 =	simm.s32 $0x6A80;
	s26 =	simm.s32 $0x9980;
	[dreg:$0x16] =	wrdreg s3  }
0x23: {  	[dreg:$0xe] =	wrdreg s26;
	s26 =	simm.s32 $0x6E80;
	s0 =	simm.s32 $0x1  }
.LBB2_1:
0x24: {  	s3 =	rddreg [dreg:$0xf]  }
0x25: {  	[spmem:s6], [sflag:s4] =	dma.local [hbm:s3], $0x2700  }
0x26: {  	_ =	swait.ge [sflag:s12], $0x2700  }
0x27: {  	[sflag:s12] =	ssyncset.done $0x0  }
0x28: {  	s3 =	rddreg [dreg:$0x10];
	[sflag:s12] =	ssyncadd.s32 $0xFFFFD900  }
0x29: {  	[spmem:s8], [sflag:s4] =	dma.local @!p0 [hbm:s3], $0x100  }
0x2a: {  	s3 =	simm.s32 @!p0 $0x3  }
0x2b: {  	_ =	swait.ge @!p0 [sflag:s3], $0x100  }
0x2c: {  	[sflag:s3] =	ssyncset.done @!p0 $0x0  }
0x2d: {  	s14 =	rddreg [dreg:$0x11];
	[sflag:s3] =	ssyncadd.s32 @!p0 $0xFFFFFF00  }
0x2e: {  	[tilespmem:s1], [sflag:$0x3] =	stream.linear.gather [hbm4b:s14+s1], $0x3E80, $0x38;
	[tilespmem:$0x1FA00] =	vst v63  }
0x2f: {  	_ =	swait.ge [sflag:s12], $0x3E80  }
0x30: {  	s5 =	simm.s32 $0x80;
	s19 =	simm.s32 $0x400;
	[sflag:s12] =	ssyncset.done $0x0  }
0x31: {  	s8 =	simm.s32 $0x4000;
	s17 =	rddreg [dreg:$0x16];
	[sflag:s12] =	ssyncadd.s32 $0xFFFFC180  }
0x32: {  	[tilespmem:s8], [sflag:$0x3] =	stream.strided.gather [hbm4b:s17+s5], $0x2780, s19, s5, $0x38;
	[tilespmem:$0x1FA00] =	vst v63  }
0x33: {  	_ =	swait.ge [sflag:s12], $0x2780  }
0x34: {  	[sflag:s12] =	ssyncset.done $0x0  }
0x35: {  	[sflag:s12] =	ssyncadd.s32 $0xFFFFD880  }
0x36: {  	[bflag:$0x0] =	sbarrier.arrive $0xFFFF  }
0x37: {  	[tilespmem:s18], [sflag:$0x1] =	stream.linear.gather [hbm4b:s7+s1], $0x80, $0x38;
	[tilespmem:$0x1FA00] =	vst v63  }
0x38: {  	s5 =	rddreg [dreg:$0x17]  }
0x39: {  	[tilespmem:s20], [sflag:$0x1] =	stream.linear.gather [hbm4b:s5+s1], $0x80, $0x38;
	[tilespmem:$0x1FA00] =	vst v63  }
0x3a: {  	s13 =	smov.u32 s6;
	s6 =	sadd.s32 $0x100, s7  }
0x3b: {  	[tilespmem:s21], [sflag:$0x1] =	stream.linear.gather [hbm4b:s6+s1], $0x80, $0x38;
	[tilespmem:$0x1FA00] =	vst v63  }
0x3c: {  	s9 =	sadd.s32 $0x180, s7  }
0x3d: {  	[tilespmem:s22], [sflag:$0x1] =	stream.linear.gather [hbm4b:s9+s1], $0x80, $0x38;
	[tilespmem:$0x1FA00] =	vst v63  }
0x3e: {  	s10 =	sadd.s32 $0x200, s7  }
0x3f: {  	[tilespmem:s23], [sflag:$0x1] =	stream.linear.gather [hbm4b:s10+s1], $0x80, $0x38;
	[tilespmem:$0x1FA00] =	vst v63  }
0x40: {  	s11 =	sadd.s32 $0x280, s7  }
0x41: {  	[tilespmem:s24], [sflag:$0x1] =	stream.linear.gather [hbm4b:s11+s1], $0x80, $0x38;
	[tilespmem:$0x1FA00] =	vst v63  }
0x42: {  	s14 =	sadd.s32 $0x300, s7  }
0x43: {  	[tilespmem:s25], [sflag:$0x1] =	stream.linear.gather [hbm4b:s14+s1], $0x80, $0x38;
	[tilespmem:$0x1FA00] =	vst v63  }
0x44: {  	s17 =	sadd.s32 $0x380, s7  }
0x45: {  	[tilespmem:s26], [sflag:$0x1] =	stream.linear.gather [hbm4b:s17+s1], $0x80, $0x38;
	[tilespmem:$0x1FA00] =	vst v63  }
0x46: {  	s19 =	sadd.s32 $0x400, s7  }
0x47: {  	[tilespmem:s28], [sflag:$0x1] =	stream.linear.gather [hbm4b:s19+s1], $0x80, $0x38;
	[tilespmem:$0x1FA00] =	vst v63  }
0x48: {  	s5 =	sadd.s32 $0x480, s7  }
0x49: {  	[tilespmem:s29], [sflag:$0x1] =	stream.linear.gather [hbm4b:s5+s1], $0x80, $0x38;
	[tilespmem:$0x1FA00] =	vst v63  }
0x4a: {  	s6 =	simm.s32 $0x0  }
0x4b: {  	[tilespmem:s31], [sflag:$0x1] =	stream.indirect.gather [hbm4b:s2+s30], $0x80, s8, s30, $0xb8;
	[tilespmem:$0x1FA00] =	vst v63  }
0x4c: {  	s3 =	smul.u32 $0x2800, s6;
	s8 =	simm.s32 $0x80  }
0x4d: {  	s5 =	sand.u32 $0x380, s8  }
0x4e: {  	s3 =	sor.u32 s3, s5  }
0x4f: {  	s3 =	sshrl.u32 s3, $0x3  }
0x50: {  	s9 =	rddreg [dreg:$0x4];
	s3 =	sadd.s32 s7, s3  }
0x51: {  	[tilespmem:s9], [sflag:$0x2] =	stream.linear.gather [hbm4b:s3+s1], $0x80, $0x38;
	[tilespmem:$0x1FA00] =	vst v63  }
0x52: {  	s10 =	rddreg [dreg:$0x5];
	s11 =	sadd.s32 $0x80, s3  }
0x53: {  	[tilespmem:s10], [sflag:$0x2] =	stream.linear.gather [hbm4b:s11+s1], $0x80, $0x38;
	[tilespmem:$0x1FA00] =	vst v63  }
0x54: {  	s14 =	rddreg [dreg:$0x6];
	s17 =	sadd.s32 $0x100, s3  }
0x55: {  	[tilespmem:s14], [sflag:$0x2] =	stream.linear.gather [hbm4b:s17+s1], $0x80, $0x38;
	[tilespmem:$0x1FA00] =	vst v63  }
0x56: {  	s19 =	rddreg [dreg:$0x7];
	s9 =	sadd.s32 $0x180, s3  }
0x57: {  	[tilespmem:s19], [sflag:$0x2] =	stream.linear.gather [hbm4b:s9+s1], $0x80, $0x38;
	[tilespmem:$0x1FA00] =	vst v63  }
0x58: {  	s10 =	rddreg [dreg:$0x8];
	s11 =	sadd.s32 $0x200, s3  }
0x59: {  	[tilespmem:s10], [sflag:$0x2] =	stream.linear.gather [hbm4b:s11+s1], $0x80, $0x38;
	[tilespmem:$0x1FA00] =	vst v63  }
0x5a: {  	s14 =	rddreg [dreg:$0x9];
	s17 =	sadd.s32 $0x280, s3  }
0x5b: {  	[tilespmem:s14], [sflag:$0x2] =	stream.linear.gather [hbm4b:s17+s1], $0x80, $0x38;
	[tilespmem:$0x1FA00] =	vst v63  }
0x5c: {  	s19 =	rddreg [dreg:$0xa];
	s9 =	sadd.s32 $0x300, s3  }
0x5d: {  	[tilespmem:s19], [sflag:$0x2] =	stream.linear.gather [hbm4b:s9+s1], $0x80, $0x38;
	[tilespmem:$0x1FA00] =	vst v63  }
0x5e: {  	s10 =	rddreg [dreg:$0xb];
	s11 =	sadd.s32 $0x380, s3  }
0x5f: {  	[tilespmem:s10], [sflag:$0x2] =	stream.linear.gather [hbm4b:s11+s1], $0x80, $0x38;
	[tilespmem:$0x1FA00] =	vst v63  }
0x60: {  	s14 =	rddreg [dreg:$0xc];
	s17 =	sadd.s32 $0x400, s3  }
0x61: {  	[tilespmem:s14], [sflag:$0x2] =	stream.linear.gather [hbm4b:s17+s1], $0x80, $0x38;
	[tilespmem:$0x1FA00] =	vst v63  }
0x62: {  	s3 =	sadd.s32 $0x480, s3;
	s19 =	rddreg [dreg:$0xd]  }
0x63: {  	[tilespmem:s19], [sflag:$0x2] =	stream.linear.gather [hbm4b:s3+s1], $0x80, $0x38;
	[tilespmem:$0x1FA00] =	vst v63  }
0x64: {  	s9 =	rddreg [dreg:$0xe];
	s3 =	simm.s32 $0x4050  }
0x65: {  	[tilespmem:s9], [sflag:$0x2] =	stream.indirect.gather [hbm4b:s2+s30], $0x80, s3, s30, $0xb8;
	[tilespmem:$0x1FA00] =	vst v63  }
0x66: {  	s10 =	simm.s32 $0x0;
	_ =	swait.ge [sflag:s0], $0x500  }
0x67: {  	s11 =	simm.s32 $0x100;
	s5 =	smul.u32 $0x2800, s10;
	[sflag:s0] =	ssyncset.done $0x0  }
0x68: {  	s6 =	sand.u32 $0x300, s11;
	[sflag:s0] =	ssyncadd.s32 $0xFFFFFB00  }
0x69: {  	s5 =	sor.u32 s6, s5;
	_ =	swait.ge [sflag:s0], $0x2800  }
0x6a: {  	s5 =	sshrl.u32 s5, $0x3;
	[sflag:s0] =	ssyncset.done $0x0  }
0x6b: {  	s5 =	sadd.s32 s7, s5;
	[sflag:s0] =	ssyncadd.s32 $0xFFFFD800  }
0x6c: {  	[tilespmem:s18], [sflag:$0x1] =	stream.linear.gather [hbm4b:s5+s1], $0x80, $0x38;
	[tilespmem:$0x1FA00] =	vst v63  }
0x6d: {  	s14 =	sadd.s32 $0x80, s5  }
0x6e: {  	[tilespmem:s20], [sflag:$0x1] =	stream.linear.gather [hbm4b:s14+s1], $0x80, $0x38;
	[tilespmem:$0x1FA00] =	vst v63  }
0x6f: {  	s17 =	sadd.s32 $0x100, s5  }
0x70: {  	[tilespmem:s21], [sflag:$0x1] =	stream.linear.gather [hbm4b:s17+s1], $0x80, $0x38;
	[tilespmem:$0x1FA00] =	vst v63  }
0x71: {  	s19 =	sadd.s32 $0x180, s5  }
0x72: {  	[tilespmem:s22], [sflag:$0x1] =	stream.linear.gather [hbm4b:s19+s1], $0x80, $0x38;
	[tilespmem:$0x1FA00] =	vst v63  }
0x73: {  	s8 =	sadd.s32 $0x200, s5  }
0x74: {  	[tilespmem:s23], [sflag:$0x1] =	stream.linear.gather [hbm4b:s8+s1], $0x80, $0x38;
	[tilespmem:$0x1FA00] =	vst v63  }
0x75: {  	s9 =	sadd.s32 $0x280, s5  }
0x76: {  	[tilespmem:s24], [sflag:$0x1] =	stream.linear.gather [hbm4b:s9+s1], $0x80, $0x38;
	[tilespmem:$0x1FA00] =	vst v63  }
0x77: {  	s10 =	sadd.s32 $0x300, s5  }
0x78: {  	[tilespmem:s25], [sflag:$0x1] =	stream.linear.gather [hbm4b:s10+s1], $0x80, $0x38;
	[tilespmem:$0x1FA00] =	vst v63  }
0x79: {  	s11 =	sadd.s32 $0x380, s5  }
0x7a: {  	[tilespmem:s26], [sflag:$0x1] =	stream.linear.gather [hbm4b:s11+s1], $0x80, $0x38;
	[tilespmem:$0x1FA00] =	vst v63  }
0x7b: {  	s14 =	sadd.s32 $0x400, s5  }
0x7c: {  	[tilespmem:s28], [sflag:$0x1] =	stream.linear.gather [hbm4b:s14+s1], $0x80, $0x38;
	[tilespmem:$0x1FA00] =	vst v63  }
0x7d: {  	s5 =	sadd.s32 $0x480, s5  }
0x7e: {  	[tilespmem:s29], [sflag:$0x1] =	stream.linear.gather [hbm4b:s5+s1], $0x80, $0x38;
	[tilespmem:$0x1FA00] =	vst v63  }
0x7f: {  	s17 =	simm.s32 $0x40A0  }
0x80: {  	[tilespmem:s31], [sflag:$0x1] =	stream.indirect.gather [hbm4b:s2+s30], $0x80, s17, s30, $0xb8;
	[tilespmem:$0x1FA00] =	vst v63  }
0x81: {  	s6 =	simm.s32 $0x200;
	s19 =	simm.s32 $0x0;
	_ =	swait.ge [sflag:s15], $0x500  }
0x82: {  	s8 =	simm.s32 $0x6;
	s9 =	simm.s32 $0x1;
	[sflag:s15] =	ssyncset.done $0x0  }
0x83: {  	s10 =	smul.u32 $0x2800, s19;
	s14 =	simm.s32 $0x180;
	[sflag:s15] =	ssyncadd.s32 $0xFFFFFB00  }
0x84: {  	s14 =	sand.u32 $0x380, s14;
	s5 =	simm.s32 $0x4;
	_ =	swait.ge [sflag:s15], $0x2800  }
0x85: {  	s14 =	sor.u32 s10, s14;
	s10 =	rddreg [dreg:$0x4];
	[sflag:s15] =	ssyncset.done $0x0  }
.LBB2_2:
0x86: {  	s14 =	sshrl.u32 s14, $0x3  }
0x87: {  	[sflag:s15] =	ssyncadd.s32 $0xFFFFD800;
	s14 =	sadd.s32 s7, s14  }
0x88: {  	[tilespmem:s10], [sflag:$0x2] =	stream.linear.gather [hbm4b:s14+s1], $0x80, $0x38;
	[tilespmem:$0x1FA00] =	vst v63  }
0x89: {  	s19 =	rddreg [dreg:$0x5];
	s10 =	sadd.s32 $0x80, s14  }
0x8a: {  	[tilespmem:s19], [sflag:$0x2] =	stream.linear.gather [hbm4b:s10+s1], $0x80, $0x38;
	[tilespmem:$0x1FA00] =	vst v63  }
0x8b: {  	s11 =	rddreg [dreg:$0x6];
	s10 =	sadd.s32 $0x100, s14  }
0x8c: {  	[tilespmem:s11], [sflag:$0x2] =	stream.linear.gather [hbm4b:s10+s1], $0x80, $0x38;
	[tilespmem:$0x1FA00] =	vst v63  }
0x8d: {  	s19 =	rddreg [dreg:$0x7];
	s10 =	sadd.s32 $0x180, s14  }
0x8e: {  	[tilespmem:s19], [sflag:$0x2] =	stream.linear.gather [hbm4b:s10+s1], $0x80, $0x38;
	[tilespmem:$0x1FA00] =	vst v63  }
0x8f: {  	s11 =	rddreg [dreg:$0x8];
	s10 =	sadd.s32 $0x200, s14  }
0x90: {  	[tilespmem:s11], [sflag:$0x2] =	stream.linear.gather [hbm4b:s10+s1], $0x80, $0x38;
	[tilespmem:$0x1FA00] =	vst v63  }
0x91: {  	s19 =	rddreg [dreg:$0x9];
	s10 =	sadd.s32 $0x280, s14  }
0x92: {  	[tilespmem:s19], [sflag:$0x2] =	stream.linear.gather [hbm4b:s10+s1], $0x80, $0x38;
	[tilespmem:$0x1FA00] =	vst v63  }
0x93: {  	s11 =	rddreg [dreg:$0xa];
	s10 =	sadd.s32 $0x300, s14  }
0x94: {  	[tilespmem:s11], [sflag:$0x2] =	stream.linear.gather [hbm4b:s10+s1], $0x80, $0x38;
	[tilespmem:$0x1FA00] =	vst v63  }
0x95: {  	s19 =	rddreg [dreg:$0xb];
	s10 =	sadd.s32 $0x380, s14  }
0x96: {  	[tilespmem:s19], [sflag:$0x2] =	stream.linear.gather [hbm4b:s10+s1], $0x80, $0x38;
	[tilespmem:$0x1FA00] =	vst v63  }
0x97: {  	s11 =	rddreg [dreg:$0xc];
	s10 =	sadd.s32 $0x400, s14  }
0x98: {  	[tilespmem:s11], [sflag:$0x2] =	stream.linear.gather [hbm4b:s10+s1], $0x80, $0x38;
	[tilespmem:$0x1FA00] =	vst v63  }
0x99: {  	s19 =	rddreg [dreg:$0xd];
	s11 =	sadd.s32 $0x480, s14  }
0x9a: {  	[tilespmem:s19], [sflag:$0x2] =	stream.linear.gather [hbm4b:s11+s1], $0x80, $0x38;
	[tilespmem:$0x1FA00] =	vst v63  }
0x9b: {  	s3 =	sadd.s32 $0xA0, s3;
	s14 =	rddreg [dreg:$0xe]  }
0x9c: {  	[tilespmem:s14], [sflag:$0x2] =	stream.indirect.gather [hbm4b:s2+s30], $0x80, s3, s30, $0xb8;
	[tilespmem:$0x1FA00] =	vst v63  }
0x9d: {  	s11 =	sshrl.u32 s5, $0x3;
	_ =	swait.ge [sflag:s0], $0x500  }
0x9e: {  	s10 =	smul.u32 $0x2800, s11;
	[sflag:s0] =	ssyncset.done $0x0  }
0x9f: {  	s14 =	sand.u32 $0x300, s6;
	[sflag:s0] =	ssyncadd.s32 $0xFFFFFB00  }
0xa0: {  	s10 =	sor.u32 s14, s10;
	_ =	swait.ge [sflag:s0], $0x2800  }
0xa1: {  	s10 =	sshrl.u32 s10, $0x3;
	[sflag:s0] =	ssyncset.done $0x0  }
0xa2: {  	s17 =	smov.u32 s8;
	s10 =	sadd.s32 s7, s10;
	[sflag:s0] =	ssyncadd.s32 $0xFFFFD800  }
0xa3: {  	[tilespmem:s18], [sflag:$0x1] =	stream.linear.gather [hbm4b:s10+s1], $0x80, $0x38;
	[tilespmem:$0x1FA00] =	vst v63  }
0xa4: {  	s5 =	smov.u32 s17;
	s17 =	sadd.s32 $0x80, s10  }
0xa5: {  	[tilespmem:s20], [sflag:$0x1] =	stream.linear.gather [hbm4b:s17+s1], $0x80, $0x38;
	[tilespmem:$0x1FA00] =	vst v63  }
0xa6: {  	s19 =	sadd.s32 $0x100, s10  }
0xa7: {  	[tilespmem:s21], [sflag:$0x1] =	stream.linear.gather [hbm4b:s19+s1], $0x80, $0x38;
	[tilespmem:$0x1FA00] =	vst v63  }
0xa8: {  	s14 =	sadd.s32 $0x180, s10  }
0xa9: {  	[tilespmem:s22], [sflag:$0x1] =	stream.linear.gather [hbm4b:s14+s1], $0x80, $0x38;
	[tilespmem:$0x1FA00] =	vst v63  }
0xaa: {  	s17 =	sadd.s32 $0x200, s10  }
0xab: {  	[tilespmem:s23], [sflag:$0x1] =	stream.linear.gather [hbm4b:s17+s1], $0x80, $0x38;
	[tilespmem:$0x1FA00] =	vst v63  }
0xac: {  	s19 =	sadd.s32 $0x280, s10  }
0xad: {  	[tilespmem:s24], [sflag:$0x1] =	stream.linear.gather [hbm4b:s19+s1], $0x80, $0x38;
	[tilespmem:$0x1FA00] =	vst v63  }
0xae: {  	s14 =	sadd.s32 $0x300, s10  }
0xaf: {  	[tilespmem:s25], [sflag:$0x1] =	stream.linear.gather [hbm4b:s14+s1], $0x80, $0x38;
	[tilespmem:$0x1FA00] =	vst v63  }
0xb0: {  	s17 =	sadd.s32 $0x380, s10  }
0xb1: {  	[tilespmem:s26], [sflag:$0x1] =	stream.linear.gather [hbm4b:s17+s1], $0x80, $0x38;
	[tilespmem:$0x1FA00] =	vst v63  }
0xb2: {  	s19 =	sadd.s32 $0x400, s10  }
0xb3: {  	[tilespmem:s28], [sflag:$0x1] =	stream.linear.gather [hbm4b:s19+s1], $0x80, $0x38;
	[tilespmem:$0x1FA00] =	vst v63  }
0xb4: {  	s10 =	sadd.s32 $0x480, s10  }
0xb5: {  	[tilespmem:s29], [sflag:$0x1] =	stream.linear.gather [hbm4b:s10+s1], $0x80, $0x38;
	[tilespmem:$0x1FA00] =	vst v63  }
0xb6: {  	p1 =	sne.s32 s8, $0x7C;
	s14 =	sadd.s32 $0x50, s3  }
0xb7: {  	[tilespmem:s31], [sflag:$0x1] =	stream.indirect.gather [hbm4b:s2+s30], $0x80, s14, s30, $0xb8;
	[tilespmem:$0x1FA00] =	vst v63  }
.Ltmp0:
0xb8: {  	s9 =	sadd.s32 $0x1, s9;
	_ =	swait.ge [sflag:s15], $0x500;
	(pc) =	sbr.rel @p1 .LBB2_2-.Ltmp0, $4  }
0xb9: {  	s6 =	sadd.s32 $0x100, s6;
	s17 =	sshrl.u32 s9, $0x2;
	[sflag:s15] =	ssyncset.done $0x0  }
0xba: {  	s19 =	sadd.s32 $0xFFFFFF80, s6;
	s10 =	smul.u32 $0x2800, s17;
	[sflag:s15] =	ssyncadd.s32 $0xFFFFFB00  }
0xbb: {  	s8 =	sadd.s32 $0x2, s8;
	s11 =	sand.u32 $0x380, s19;
	_ =	swait.ge [sflag:s15], $0x2800  }
0xbc: {  	s14 =	sor.u32 s10, s11;
	s10 =	rddreg [dreg:$0x4];
	[sflag:s15] =	ssyncset.done $0x0  }
0xbd: {  	s8 =	sshrl.u32 s14, $0x3  }
0xbe: {  	[sflag:s15] =	ssyncadd.s32 $0xFFFFD800;
	s8 =	sadd.s32 s7, s8  }
0xbf: {  	[tilespmem:s10], [sflag:$0x2] =	stream.linear.gather [hbm4b:s8+s1], $0x80, $0x38;
	[tilespmem:$0x1FA00] =	vst v63  }
0xc0: {  	s9 =	rddreg [dreg:$0x5];
	s14 =	sadd.s32 $0x80, s8  }
0xc1: {  	[tilespmem:s9], [sflag:$0x2] =	stream.linear.gather [hbm4b:s14+s1], $0x80, $0x38;
	[tilespmem:$0x1FA00] =	vst v63  }
0xc2: {  	s11 =	rddreg [dreg:$0x6];
	s17 =	sadd.s32 $0x100, s8  }
0xc3: {  	[tilespmem:s11], [sflag:$0x2] =	stream.linear.gather [hbm4b:s17+s1], $0x80, $0x38;
	[tilespmem:$0x1FA00] =	vst v63  }
0xc4: {  	s19 =	rddreg [dreg:$0x7];
	s11 =	sadd.s32 $0x180, s8  }
0xc5: {  	[tilespmem:s19], [sflag:$0x2] =	stream.linear.gather [hbm4b:s11+s1], $0x80, $0x38;
	[tilespmem:$0x1FA00] =	vst v63  }
0xc6: {  	s14 =	rddreg [dreg:$0x8];
	s17 =	sadd.s32 $0x200, s8  }
0xc7: {  	[tilespmem:s14], [sflag:$0x2] =	stream.linear.gather [hbm4b:s17+s1], $0x80, $0x38;
	[tilespmem:$0x1FA00] =	vst v63  }
0xc8: {  	s19 =	rddreg [dreg:$0x9];
	s11 =	sadd.s32 $0x280, s8  }
0xc9: {  	[tilespmem:s19], [sflag:$0x2] =	stream.linear.gather [hbm4b:s11+s1], $0x80, $0x38;
	[tilespmem:$0x1FA00] =	vst v63  }
0xca: {  	s14 =	rddreg [dreg:$0xa];
	s17 =	sadd.s32 $0x300, s8  }
0xcb: {  	[tilespmem:s14], [sflag:$0x2] =	stream.linear.gather [hbm4b:s17+s1], $0x80, $0x38;
	[tilespmem:$0x1FA00] =	vst v63  }
0xcc: {  	s19 =	rddreg [dreg:$0xb];
	s11 =	sadd.s32 $0x380, s8  }
0xcd: {  	[tilespmem:s19], [sflag:$0x2] =	stream.linear.gather [hbm4b:s11+s1], $0x80, $0x38;
	[tilespmem:$0x1FA00] =	vst v63  }
0xce: {  	s14 =	rddreg [dreg:$0xc];
	s17 =	sadd.s32 $0x400, s8  }
0xcf: {  	[tilespmem:s14], [sflag:$0x2] =	stream.linear.gather [hbm4b:s17+s1], $0x80, $0x38;
	[tilespmem:$0x1FA00] =	vst v63  }
0xd0: {  	s8 =	sadd.s32 $0x480, s8;
	s19 =	rddreg [dreg:$0xd]  }
0xd1: {  	[tilespmem:s19], [sflag:$0x2] =	stream.linear.gather [hbm4b:s8+s1], $0x80, $0x38;
	[tilespmem:$0x1FA00] =	vst v63  }
0xd2: {  	s3 =	sadd.s32 $0xA0, s3;
	s11 =	rddreg [dreg:$0xe]  }
0xd3: {  	[tilespmem:s11], [sflag:$0x2] =	stream.indirect.gather [hbm4b:s2+s30], $0x80, s3, s30, $0xb8;
	[tilespmem:$0x1FA00] =	vst v63  }
0xd4: {  	s5 =	sshrl.u32 s5, $0x3;
	_ =	swait.ge [sflag:s0], $0x500  }
0xd5: {  	s5 =	smul.u32 $0x2800, s5;
	[sflag:s0] =	ssyncset.done $0x0  }
0xd6: {  	s6 =	sand.u32 $0x300, s6;
	[sflag:s0] =	ssyncadd.s32 $0xFFFFFB00  }
0xd7: {  	s5 =	sor.u32 s6, s5;
	_ =	swait.ge [sflag:s0], $0x2800  }
0xd8: {  	s5 =	sshrl.u32 s5, $0x3;
	[sflag:s0] =	ssyncset.done $0x0  }
0xd9: {  	s5 =	sadd.s32 s7, s5;
	[sflag:s0] =	ssyncadd.s32 $0xFFFFD800  }
0xda: {  	[tilespmem:s18], [sflag:$0x1] =	stream.linear.gather [hbm4b:s5+s1], $0x80, $0x38;
	[tilespmem:$0x1FA00] =	vst v63  }
0xdb: {  	s14 =	sadd.s32 $0x80, s5  }
0xdc: {  	[tilespmem:s20], [sflag:$0x1] =	stream.linear.gather [hbm4b:s14+s1], $0x80, $0x38;
	[tilespmem:$0x1FA00] =	vst v63  }
0xdd: {  	s17 =	sadd.s32 $0x100, s5  }
0xde: {  	[tilespmem:s21], [sflag:$0x1] =	stream.linear.gather [hbm4b:s17+s1], $0x80, $0x38;
	[tilespmem:$0x1FA00] =	vst v63  }
0xdf: {  	s19 =	sadd.s32 $0x180, s5  }
0xe0: {  	[tilespmem:s22], [sflag:$0x1] =	stream.linear.gather [hbm4b:s19+s1], $0x80, $0x38;
	[tilespmem:$0x1FA00] =	vst v63  }
0xe1: {  	s8 =	sadd.s32 $0x200, s5  }
0xe2: {  	[tilespmem:s23], [sflag:$0x1] =	stream.linear.gather [hbm4b:s8+s1], $0x80, $0x38;
	[tilespmem:$0x1FA00] =	vst v63  }
0xe3: {  	s9 =	sadd.s32 $0x280, s5  }
0xe4: {  	[tilespmem:s24], [sflag:$0x1] =	stream.linear.gather [hbm4b:s9+s1], $0x80, $0x38;
	[tilespmem:$0x1FA00] =	vst v63  }
0xe5: {  	s10 =	sadd.s32 $0x300, s5  }
0xe6: {  	[tilespmem:s25], [sflag:$0x1] =	stream.linear.gather [hbm4b:s10+s1], $0x80, $0x38;
	[tilespmem:$0x1FA00] =	vst v63  }
0xe7: {  	s11 =	sadd.s32 $0x380, s5  }
0xe8: {  	[tilespmem:s26], [sflag:$0x1] =	stream.linear.gather [hbm4b:s11+s1], $0x80, $0x38;
	[tilespmem:$0x1FA00] =	vst v63  }
0xe9: {  	s14 =	sadd.s32 $0x400, s5  }
0xea: {  	[tilespmem:s28], [sflag:$0x1] =	stream.linear.gather [hbm4b:s14+s1], $0x80, $0x38;
	[tilespmem:$0x1FA00] =	vst v63  }
0xeb: {  	s5 =	sadd.s32 $0x480, s5  }
0xec: {  	[tilespmem:s29], [sflag:$0x1] =	stream.linear.gather [hbm4b:s5+s1], $0x80, $0x38;
	[tilespmem:$0x1FA00] =	vst v63  }
0xed: {  	s3 =	sadd.s32 $0x50, s3  }
0xee: {  	[tilespmem:s31], [sflag:$0x1] =	stream.indirect.gather [hbm4b:s2+s30], $0x80, s3, s30, $0xb8;
	[tilespmem:$0x1FA00] =	vst v63  }
0xef: {  	_ =	swait.ge [sflag:s15], $0x500  }
0xf0: {  	[sflag:s15] =	ssyncset.done $0x0  }
0xf1: {  	[sflag:s15] =	ssyncadd.s32 $0xFFFFFB00  }
0xf2: {  	_ =	swait.ge [sflag:s15], $0x2800  }
0xf3: {  	[sflag:s15] =	ssyncset.done $0x0  }
0xf4: {  	[sflag:s15] =	ssyncadd.s32 $0xFFFFD800  }
0xf5: {  	_ =	swait.ge [sflag:s0], $0x500  }
0xf6: {  	[sflag:s0] =	ssyncset.done $0x0  }
0xf7: {  	[sflag:s0] =	ssyncadd.s32 $0xFFFFFB00  }
0xf8: {  	_ =	swait.ge [sflag:s0], $0x2800  }
0xf9: {  	[sflag:s0] =	ssyncset.done $0x0  }
0xfa: {  	[sflag:s0] =	ssyncadd.s32 $0xFFFFD800  }
0xfb: {  	[bflag:$0x0] =	sbarrier.arrive $0xFFFF  }
0xfc: {  	s17 =	rddreg [dreg:$0x12]  }
0xfd: {  	[hbm:s17], [sflag:s4] =	dma.local [spmem:s13], $0x2700  }
0xfe: {  	_ =	swait.ge [sflag:s12], $0x2700  }
0xff: {  	[sflag:s12] =	ssyncset.done $0x0;
	s3 =	rddreg [dreg:$0x13]  }
0x100: {  	s8 =	rddreg [dreg:$0x15];
	[sflag:s12] =	ssyncadd.s32 $0xFFFFD900  }
0x101: {  	[hbm:s3], [sflag:s4] =	dma.local @!p0 [spmem:s8], $0x100  }
0x102: {  	s3 =	simm.s32 @!p0 $0x3  }
0x103: {  	_ =	swait.ge @!p0 [sflag:s3], $0x100  }
0x104: {  	s16 =	sadd.s32 $0x1, s16;
	s19 =	rddreg [dreg:$0x14]  }
0x105: {  	p1 =	sne.s32 s16, s19  }
.Ltmp1:
0x106: {  	_ = 	snop;
	(pc) =	sbr.rel @p1 .LBB2_1-.Ltmp1, $3  }
0x107: {  	_ =	sdelay $0x1  }
0x108: {  	[sflag:s3] =	ssyncset.done @!p0 $0x0  }
0x109: {  	s6 =	smov.u32 s13;
	[sflag:s3] =	ssyncadd.s32 @!p0 $0xFFFFFF00  }
0x10a: {  	_ =	sfence.sel $0x180000  }
0x10b: {  	[bflag:$0x0] =	sbarrier.arrive $0xFFFF  }
0x10c: {  	_ =	strace $0x9000004A  }
0x10d: {  	[bflag:$0x2] =	sbarrier.arrive $0xFFFF  }
0x10e: {  	s0 =	rddreg [dreg:$0x3]  }
0x10f: {  	s0 =	sadd.s32 @!p0 $0x100000, s0  }
0x110: {  	[sflag:s0] =	ssyncadd.tile.s32 @!p0 $0x1;
	_ =	shalt  }
.Lfunc_end2:
_tile_overlayer_lowered:
.L_overlay_start_2:
0x111: {  	(tag) =	ssettag $0x2  }
0x112: {  	s0 =	rddreg [dreg:$0x0];
	s2 =	stileid.u32  }
0x113: {  	s1 =	rddreg [dreg:$0x1];
	p0 =	sne.s32 s2, $0x0  }
0x114: {  	s3 =	rddreg [dreg:$0x2];
	[bflag:$0x3] =	sbarrier.arrive $0xFFFF;
	s2 =	simm.s32 @!p0 $0x1C03  }
0x115: {  	[timem:s3], [sflag:s2] =	dma.local @!p0 [hbm:s0], s1  }
0x116: {  	s0 =	simm.s32 @!p0 $0x3  }
0x117: {  	_ =	swait.ge @!p0 [sflag:s0], s1  }
0x118: {  	s1 =	ssub.s32 @!p0 $0x0, s1;
	[sflag:s0] =	ssyncset.done @!p0 $0x0  }
0x119: {  	[sflag:s0] =	ssyncadd.s32 @!p0 s1  }
0x11a: {  	[bflag:$0x3] =	sbarrier.arrive $0xFFFF  }
0x11b: {  	_ =	shalt  }

// kernel: kernel.14.cloned.1.call-start
scs
__scs_entry_jumppad:
0x0: {  	(pc) =	sbr.rel $0x88, $3  }
0x1: {  	(tag) =	ssettag $0x0;
	lr =	simm.s32 $0x1  }
0x2: {  	[smem:$0x3F9A] =	sst lr;
	_ =	strace $0xD0000000  }
0x3: {  	_ = 	snop  }
0x4: {  	_ = 	snop  }
0x5: {  	_ = 	snop  }
0x6: {  	_ = 	snop  }
0x7: {  	_ = 	snop  }
__scs_overlays_trampoline_lowered:
0x8: {  	[smem:$0x3FA9] =	sst s0  }
0x9: {  	[smem:$0x3FAA] =	sst s1  }
0xa: {  	[smem:$0x3FAB] =	sst s2  }
0xb: {  	[smem:$0x3FAC] =	sst s3  }
0xc: {  	[smem:$0x3FAD] =	sst s4  }
0xd: {  	[smem:$0x3FAE] =	sst s5  }
0xe: {  	[smem:$0x3FAF] =	sst s6  }
0xf: {  	[smem:$0x3FB0] =	sst s7  }
0x10: {  	[smem:$0x3FB1] =	sst s8  }
0x11: {  	[smem:$0x3FB2] =	sst s9;
	s0 =	simm.s32 @!p0 $0x0  }
0x12: {  	s1 =	sld [smem:$0x3F98];
	s0 =	simm.s32 @p0 $0x1  }
0x13: {  	[smem:$0x3FB3] =	sst s0;
	s0 =	simm.s32 @!p1 $0x0  }
0x14: {  	s2 =	sld [smem:$0x3F97];
	s0 =	simm.s32 @p1 $0x1  }
0x15: {  	[smem:$0x3FB4] =	sst s0;
	s0 =	simm.s32 @!p2 $0x0  }
0x16: {  	s3 =	sld [smem:$0x3FDB];
	s0 =	simm.s32 @p2 $0x1  }
0x17: {  	s4 =	simm.s32 $0x1BF5;
	[smem:$0x3FB6] =	sst s0  }
0x18: {  	s0 =	sld [smem:$0x3F99];
	_ =	swait.ge [sflag:s4], $0x0  }
0x19: {  	s7 =	sld [smem:$0x3F9A]  }
0x1a: {  	s8 =	sadd.s32 $0xFFFFE003, lr  }
0x1b: {  	s9 =	sadd.s32 $0xFFFFFEF7, lr;
	s5 =	simm.s32 $0xFFFFFFFF;
	p2 =	slt.u32 s8, $0xFFFFF086  }
0x1c: {  	p1 =	slt.u32 s9, $0xF7A;
	s5 =	simm.s32 @!p2 $0x0  }
0x1d: {  	s5 =	simm.s32 @p1 $0x1;
	p0 =	seq.s32 s7, s2  }
0x1e: {  	s7 =	smul.u32 @!p0 $0xF7A, s2;
	p2 =	seq.s32 @!p0 s5, $0x0  }
0x1f: {  	s9 =	smul.u32 $0xF7A, s1;
	s8 =	simm.s32 @!p0 $0x1BF5;
	p2 =	por !p2, p0  }
0x20: {  	[sflag:s8] =	ssyncset.s32 @!p0 $0xFFFFF086;
	s6 =	sadd.s32 @!p0 s3, s7;
	s7 =	simm.s32 @!p0 $0x108  }
0x21: {  	s3 =	sadd.s32 s3, s9;
	s6 =	sadd.s32 @!p0 $0x88, s6;
	s7 =	simm.s32 @p2 $0x1082  }
0x22: {  	[simem:s7], [sflag:s8] =	dma.local @!p0 [hbm:s6], $0xF7A  }
0x23: {  	s9 =	sor.u32 $0xD0000000, s2;
	s6 =	simm.s32 $0x108;
	_ =	swait.ge @!p0 [sflag:s8], $0x0  }
0x24: {  	s3 =	sadd.s32 $0x88, s3;
	s6 =	simm.s32 @!p1 $0x1082;
	[sflag:s4] =	ssyncset.s32 $0xFFFFF086  }
0x25: {  	[simem:s6], [sflag:s4] =	dma.local [hbm:s3], $0xF7A  }
0x26: {  	[smem:$0x3F9A] =	sst s1;
	(tag) =	ssettag s2;
	_ =	strace s9  }
0x27: {  	s1 =	sld [smem:$0x3FAA]  }
0x28: {  	s2 =	sld [smem:$0x3FAB]  }
0x29: {  	s4 =	sld [smem:$0x3FAD]  }
0x2a: {  	p0 =	seq.s32 s5, $0x0;
	s5 =	sld [smem:$0x3FAE]  }
0x2b: {  	s6 =	sld [smem:$0x3FAF]  }
0x2c: {  	s7 =	sld [smem:$0x3FB0]  }
0x2d: {  	s3 =	simm.s32 $0x108;
	s8 =	sld [smem:$0x3FB1]  }
0x2e: {  	s3 =	simm.s32 @!p0 $0x1082;
	s9 =	sld [smem:$0x3FB2]  }
0x2f: {  	lr =	sadd.s32 s0, s3;
	s0 =	sld [smem:$0x3FA9]  }
0x30: {  	s3 =	sld [smem:$0x3FAC]  }
0x31: {  	[smem:$0x3FB5] =	sst s10  }
0x32: {  	s10 =	sld [smem:$0x3FB3];
	_ =	sdelay $0x3  }
0x33: {  	p0 =	seq.s32 s10, $0x1;
	s10 =	sld [smem:$0x3FB5];
	_ =	sdelay $0x3  }
0x34: {  	[smem:$0x3FB5] =	sst s10  }
0x35: {  	s10 =	sld [smem:$0x3FB4];
	_ =	sdelay $0x3  }
0x36: {  	p1 =	seq.s32 s10, $0x1;
	s10 =	sld [smem:$0x3FB5];
	_ =	sdelay $0x3  }
0x37: {  	[smem:$0x3FB5] =	sst s10  }
0x38: {  	s10 =	sld [smem:$0x3FB6]  }
0x39: {  	_ = 	snop;
	(pc) =	sbr.ind lr, $3  }
0x3a: {  	_ = 	snop  }
0x3b: {  	_ = 	snop  }
0x3c: {  	p2 =	seq.s32 s10, $0x1;
	s10 =	sld [smem:$0x3FB5]  }
0x3d: {  	_ =	shalt  }
0x3e: {  	_ =	shalt  }
0x3f: {  	_ =	shalt  }
0x40: {  	_ =	shalt  }
0x41: {  	_ =	shalt  }
0x42: {  	_ =	shalt  }
0x43: {  	_ =	shalt  }
0x44: {  	_ =	shalt  }
0x45: {  	_ =	shalt  }
0x46: {  	_ =	shalt  }
0x47: {  	_ =	shalt  }
0x48: {  	_ =	shalt  }
0x49: {  	_ =	shalt  }
0x4a: {  	_ =	shalt  }
0x4b: {  	_ =	shalt  }
0x4c: {  	_ =	shalt  }
0x4d: {  	_ =	shalt  }
0x4e: {  	_ =	shalt  }
0x4f: {  	_ =	shalt  }
0x50: {  	_ =	shalt  }
0x51: {  	_ =	shalt  }
0x52: {  	_ =	shalt  }
0x53: {  	_ =	shalt  }
0x54: {  	_ =	shalt  }
0x55: {  	_ =	shalt  }
0x56: {  	_ =	shalt  }
0x57: {  	_ =	shalt  }
0x58: {  	_ =	shalt  }
0x59: {  	_ =	shalt  }
0x5a: {  	_ =	shalt  }
0x5b: {  	_ =	shalt  }
0x5c: {  	_ =	shalt  }
0x5d: {  	_ =	shalt  }
0x5e: {  	_ =	shalt  }
0x5f: {  	_ =	shalt  }
0x60: {  	_ =	shalt  }
0x61: {  	_ =	shalt  }
0x62: {  	_ =	shalt  }
0x63: {  	_ =	shalt  }
0x64: {  	_ =	shalt  }
0x65: {  	_ =	shalt  }
0x66: {  	_ =	shalt  }
0x67: {  	_ =	shalt  }
0x68: {  	_ =	shalt  }
0x69: {  	_ =	shalt  }
0x6a: {  	_ =	shalt  }
0x6b: {  	_ =	shalt  }
0x6c: {  	_ =	shalt  }
0x6d: {  	_ =	shalt  }
0x6e: {  	_ =	shalt  }
0x6f: {  	_ =	shalt  }
0x70: {  	_ =	shalt  }
0x71: {  	_ =	shalt  }
0x72: {  	_ =	shalt  }
0x73: {  	_ =	shalt  }
0x74: {  	_ =	shalt  }
0x75: {  	_ =	shalt  }
0x76: {  	_ =	shalt  }
0x77: {  	_ =	shalt  }
0x78: {  	_ =	shalt  }
0x79: {  	_ =	shalt  }
0x7a: {  	_ =	shalt  }
0x7b: {  	_ =	shalt  }
0x7c: {  	_ =	shalt  }
0x7d: {  	_ =	shalt  }
0x7e: {  	_ =	shalt  }
0x7f: {  	_ =	shalt  }
0x80: {  	_ =	shalt  }
0x81: {  	_ =	shalt  }
0x82: {  	_ =	shalt  }
0x83: {  	_ =	shalt  }
0x84: {  	_ =	shalt  }
0x85: {  	_ =	shalt  }
0x86: {  	_ =	shalt  }
0x87: {  	_ =	shalt  }
.Lfunc_end0:
.L_simem_size_0:
called_computation.2_lowered:
.L_overlay_start_0:
0x88: {  	s2 =	sld [smem:$0x3FD9]  }
0x89: {  	s3 =	sld [smem:$0x3FFE];
	_ =	sdelay $0x1  }
0x8a: {  	s1 =	srdreg.scid  }
0x8b: {  	s0 =	sand.u32 $0x1, s1  }
0x8c: {  	s17 =	sshll.u32 s0, $0xA;
	s2 =	sadd.s32 s3, s2  }
0x8d: {  	s2 =	sadd.s32 s2, s17  }
0x8e: {  	[smem:$0x3FC1] =	sst s2  }
0x8f: {  	_ = 	snop  }
0x90: {  	s2 =	sld [smem:$0x3FD0];
	(tm) =	ssettm $0x1  }
0x91: {  	s18 =	sld [smem:$0x3FFB];
	_ =	sdelay $0x3  }
0x92: {  	_ =	strace s18  }
0x93: {  	s3 =	sld [smem:$0x3FFC];
	_ =	sdelay $0x3  }
0x94: {  	_ =	strace s3  }
0x95: {  	s3 =	sld [smem:$0x3FFD];
	_ =	sdelay $0x3  }
0x96: {  	_ =	strace s3  }
0x97: {  	_ =	strace $0x8FFFFFFF  }
0x98: {  	s19 =	sld [smem:$0x3FDB];
	_ =	sdelay $0x1  }
0x99: {  	s4 =	simm.s32 $_scs_section_size  }
0x9a: {  	s5 =	simm.s32 $_size__tile_overlayer_lowered;
	s6 =	simm.s32 $_tile_overlayer_lowered  }
0x9b: {  	s22 =	simm.s32 $0x1BFF;
	s21 =	sshll.u32 s6, $0x1;
	s3 =	sadd.s32 s4, s19  }
0x9c: {  	s7 =	simm.s32 $0x0;
	s20 =	sshll.u32 s5, $0x1;
	s5 =	sadd.s32 s21, s3  }
0x9d: {  	[timem:s7], [sflag:s22] =	dma.local [hbm:s5], s20  }
0x9e: {  	_ =	swait.ge [sflag:s22], s20  }
0x9f: {  	s4 =	ssub.s32 $0x0, s20;
	[sflag:s22] =	ssyncset.done $0x0  }
0xa0: {  	[sflag:s22] =	ssyncadd.s32 s4;
	_ =	sdelay $0x1  }
0xa1: {  	s23 =	simm.s32 $0x1B8B  }
0xa2: {  	_ =	swait.ge [sflag:s23], $0x1  }
0xa3: {  	[sflag:s23] =	ssyncset.done $0x0  }
0xa4: {  	s25 =	simm.s32 $0x1B8E;
	s24 =	sld [smem:$0x3FFE];
	[sflag:s23] =	ssyncadd.s32 $0xFFFFFFFF  }
0xa5: {  	s26 =	simm.s32 $execute0_lowered;
	[smem:$0x3FD2] =	sst s25  }
0xa6: {  	s5 =	sshll.u32 s26, $0x1;
	_ =	strace $0x8000004C;
	[dreg:$0x1] =	wrdreg $0xFFFFFFFF  }
0xa7: {  	s28 =	simm.s32 $_size_execute0_lowered;
	s3 =	sadd.s32 s3, s5;
	[dreg:$0x0] =	wrdreg $0x0  }
0xa8: {  	s5 =	sshll.u32 s28, $0x1;
	[dreg:$0x2] =	wrdreg s3  }
0xa9: {  	[dreg:$0x3] =	wrdreg s5  }
0xaa: {  	[dreg:$0x4] =	wrdreg $0xC0  }
0xab: {  	_ =	task [dreg:s7], $0x5FFFF  }
0xac: {  	[dreg:$0x1] =	wrdreg $0xFFFFFFFF  }
0xad: {  	[dreg:$0x0] =	wrdreg $0x60  }
0xae: {  	[dreg:$0x2] =	wrdreg s24  }
0xaf: {  	[dreg:$0x3] =	wrdreg s2  }
0xb0: {  	[dreg:$0x4] =	wrdreg $0x81000  }
0xb1: {  	[dreg:$0x5] =	wrdreg $0x9  }
0xb2: {  	_ =	task.clear_ibuf [dreg:s7], $0x6FFFF;
	_ =	strace $0x9000004C  }
0xb3: {  	s29 =	simm.s32 $0x9;
	_ =	strace $0x8000004E  }
0xb4: {  	_ =	swait.ge [sflag:s29], $0x1  }
0xb5: {  	[sflag:s29] =	ssyncadd.s32 $0xFFFFFFFF  }
0xb6: {  	_ =	strace $0x9000004E  }
0xb7: {  	_ =	sfence  }
0xb8: {  	s30 =	sld [smem:$0x0];
	_ =	sdelay $0x2  }
0xb9: {  	s31 =	sshll.u32 s1, $0xD;
	s1 =	sshrl.u32 s1, $0x2  }
0xba: {  	s3 =	sand.u32 $0x4000, s31;
	s1 =	sadd.s32 s1, s30  }
0xbb: {  	s0 =	sor.u32 s3, s0;
	s1 =	sshll.u32 s1, $0x11  }
0xbc: {  	s0 =	sor.u32 s1, s0  }
0xbd: {  	s0 =	sadd.s32 $0x8F2B, s0  }
0xbe: {  	[sflag:s0] =	ssyncadd.remote.s32 $0x1  }
0xbf: {  	_ =	sfence.sel $0xFFFF  }
0xc0: {  	[dreg:$0x0] =	wrdreg $0xFFFFFFFF;
	(pc) =	sbr.abs _section_cstart, $3  }
0xc1: {  	[dreg:$0x1] =	wrdreg $0xFFFFFFFF  }
0xc2: {  	_ =	task.clear_ibuf [dreg:s7], $0x2FFFF;
	_ =	strace $0x9FFFFFFF  }
0xc3: {  	(tm) =	ssettm $0x7FFFFFFF  }
tec
execute0_lowered:
.L_overlay_start_1:
0x0: {  	(tag) =	ssettag $0x1  }
0x1: {  	s3 =	rddreg [dreg:$0x0]  }
0x2: {  	s0 =	srdreg.scid;
	s5 =	rddreg [dreg:$0x1]  }
0x3: {  	s12 =	stileid.u32;
	s6 =	rddreg [dreg:$0x2]  }
0x4: {  	s23 =	simm.s32 $0x5480;
	s24 =	simm.s32 $0x5580;
	s25 =	simm.s32 $0x5680  }
0x5: {  	s26 =	simm.s32 $0x5780;
	s28 =	simm.s32 $0x2;
	s29 =	simm.s32 $0x0  }
0x6: {  	s0 =	sand.u32 $0x1, s0;
	s7 =	sshll.u32 s12, $0x7;
	s16 =	smul.u32 $0x4E000, s12  }
0x7: {  	s13 =	smul.u32 $0x2700, s12;
	s17 =	sshll.u32 s12, $0x6;
	s15 =	sadd.s32 $0x138000, s6  }
0x8: {  	p0 =	sne.s32 s12, $0x0;
	s1 =	sshll.u32 s0, $0x4;
	s19 =	smul.u32 $0x138800, s0  }
0x9: {  	s7 =	sand.u32 $0x380, s7;
	s10 =	ssub.s32 $0x2, s0;
	s0 =	smul.u32 $0x27100, s0  }
0xa: {  	s2 =	sor.u32 s12, s1;
	s1 =	simm.s32 $0x0;
	s11 =	sshrl.u32 s10, $0x1  }
0xb: {  	s18 =	sadd.s32 s5, s13;
	s5 =	sadd.s32 $0x27000, s5;
	[smem:$0x7FF] =	sst s1  }
0xc: {  	s4 =	sshrl.u32 s2, $0x3;
	_ =	strace $0x8000004D;
	[dreg:$0xa] =	wrdreg s18  }
0xd: {  	s8 =	sshll.u32 s2, $0xB;
	s2 =	smul.u32 $0x2800, s2;
	[dreg:$0xb] =	wrdreg s5  }
0xe: {  	s11 =	ssub.s32 s10, s11;
	s22 =	sshrl.u32 s19, $0x3;
	[dreg:$0x4] =	wrdreg s23  }
0xf: {  	s0 =	sadd.s32 s13, s0;
	s13 =	simm.s32 $0x3;
	[dreg:$0x5] =	wrdreg s24  }
0x10: {  	s4 =	smul.u32 $0xA000, s4;
	s30 =	sadd.s32 s8, s3;
	[dreg:$0x6] =	wrdreg s25  }
0x11: {  	s11 =	smax.u32 s11, $0x1;
	s18 =	simm.s32 $0x5400;
	[dreg:$0x7] =	wrdreg s26  }
0x12: {  	s23 =	simm.s32 $0x5800;
	s24 =	simm.s32 $0x28;
	s25 =	simm.s32 $0x5900  }
0x13: {  	s26 =	simm.s32 $0x1;
	s9 =	sadd.s32 s2, s3;
	s2 =	sadd.s32 $0x11400, s3  }
0x14: {  	s20 =	sadd.s32 $0x1400, s30;
	s30 =	simm.s32 $0x5880;
	s4 =	sor.u32 s7, s4  }
0x15: {  	[dreg:$0xc] =	wrdreg s20;
	s8 =	sadd.s32 $0x114C00, s9;
	s20 =	simm.s32 $0x5500  }
0x16: {  	[dreg:$0x8] =	wrdreg s30;
	s4 =	sshrl.u32 s4, $0x3;
	s19 =	sadd.s32 $0x80, s8  }
0x17: {  	s31 =	sadd.s32 s4, s3;
	s3 =	sadd.s32 $0x38600, s3;
	s4 =	sshrl.u32 s16, $0x2  }
0x18: {  	s14 =	sadd.s32 s4, s6;
	s4 =	sor.u32 $0x1C03, s17;
	s21 =	sadd.s32 $0x10FC00, s31  }
0x19: {  	s5 =	sadd.s32 s3, s22;
	s0 =	sadd.s32 s3, s0;
	s17 =	simm.s32 $0x4000  }
0x1a: {  	s22 =	simm.s32 $0x5700;
	s31 =	simm.s32 $0x6D00;
	[dreg:$0xd] =	wrdreg s21  }
0x1b: {  	[dreg:$0xe] =	wrdreg s0;
	s10 =	sadd.s32 $0x27000, s5;
	s12 =	sshrl.u32 s14, $0x3  }
0x1c: {  	s14 =	sshrl.u32 @!p0 s15, $0x3;
	s21 =	simm.s32 $0x5600;
	[dreg:$0x9] =	wrdreg s31  }
.LBB2_1:
0x1d: {  	s0 =	rddreg [dreg:$0xa]  }
0x1e: {  	[spmem:s12], [sflag:s4] =	dma.local [hbm:s0], $0x2700  }
0x1f: {  	_ =	swait.ge [sflag:s13], $0x2700  }
0x20: {  	[sflag:s13] =	ssyncset.done $0x0  }
0x21: {  	s0 =	rddreg [dreg:$0xb];
	[sflag:s13] =	ssyncadd.s32 $0xFFFFD900  }
0x22: {  	[spmem:s14], [sflag:s4] =	dma.local @!p0 [hbm:s0], $0x100  }
0x23: {  	s0 =	simm.s32 @!p0 $0x3  }
0x24: {  	_ =	swait.ge @!p0 [sflag:s0], $0x100  }
0x25: {  	[sflag:s0] =	ssyncset.done @!p0 $0x0  }
0x26: {  	s15 =	rddreg [dreg:$0xc];
	[sflag:s0] =	ssyncadd.s32 @!p0 $0xFFFFFF00  }
0x27: {  	[tilespmem:s1], [sflag:$0x3] =	stream.linear.gather [hbm4b:s15+s1], $0x3E80, $0x38;
	[tilespmem:$0x1B980] =	vst v63  }
0x28: {  	_ =	swait.ge [sflag:s13], $0x3E80  }
0x29: {  	s3 =	simm.s32 $0x80;
	[sflag:s13] =	ssyncset.done $0x0  }
0x2a: {  	s5 =	simm.s32 $0x400;
	s16 =	rddreg [dreg:$0xd];
	[sflag:s13] =	ssyncadd.s32 $0xFFFFC180  }
0x2b: {  	[tilespmem:s17], [sflag:$0x3] =	stream.strided.gather [hbm4b:s16+s3], $0x1400, s5, s3, $0x38;
	[tilespmem:$0x1B980] =	vst v63  }
0x2c: {  	_ =	swait.ge [sflag:s13], $0x1400  }
0x2d: {  	[sflag:s13] =	ssyncset.done $0x0  }
0x2e: {  	[sflag:s13] =	ssyncadd.s32 $0xFFFFEC00  }
0x2f: {  	[bflag:$0x0] =	sbarrier.arrive $0xFFFF  }
0x30: {  	[tilespmem:s18], [sflag:$0x1] =	stream.linear.gather [hbm4b:s8+s1], $0x80, $0x38;
	[tilespmem:$0x1B980] =	vst v63  }
0x31: {  	_ = 	snop  }
0x32: {  	[tilespmem:s20], [sflag:$0x1] =	stream.linear.gather [hbm4b:s19+s1], $0x80, $0x38;
	[tilespmem:$0x1B980] =	vst v63  }
0x33: {  	s7 =	simm.s32 $0x0;
	s9 =	simm.s32 $0x80;
	s3 =	sadd.s32 $0x100, s8  }
0x34: {  	[tilespmem:s21], [sflag:$0x1] =	stream.linear.gather [hbm4b:s3+s1], $0x80, $0x38;
	[tilespmem:$0x1B980] =	vst v63  }
0x35: {  	s0 =	smul.u32 $0x1400, s7;
	s5 =	sadd.s32 $0x180, s8;
	s3 =	sand.u32 $0x380, s9  }
0x36: {  	[tilespmem:s22], [sflag:$0x1] =	stream.linear.gather [hbm4b:s5+s1], $0x80, $0x38;
	[tilespmem:$0x1B980] =	vst v63  }
0x37: {  	s6 =	sadd.s32 $0x200, s8;
	s0 =	sor.u32 s0, s3  }
0x38: {  	[tilespmem:s23], [sflag:$0x1] =	stream.linear.gather [hbm4b:s6+s1], $0x80, $0x38;
	[tilespmem:$0x1B980] =	vst v63  }
0x39: {  	s0 =	sshrl.u32 s0, $0x3  }
0x3a: {  	[tilespmem:s25], [sflag:$0x1] =	stream.indirect.gather [hbm4b:s2+s24], $0x80, s17, s24, $0xb8;
	[tilespmem:$0x1B980] =	vst v63  }
0x3b: {  	s15 =	rddreg [dreg:$0x4];
	s0 =	sadd.s32 s8, s0  }
0x3c: {  	[tilespmem:s15], [sflag:$0x2] =	stream.linear.gather [hbm4b:s0+s1], $0x80, $0x38;
	[tilespmem:$0x1B980] =	vst v63  }
0x3d: {  	s16 =	rddreg [dreg:$0x5];
	s6 =	sadd.s32 $0x80, s0  }
0x3e: {  	[tilespmem:s16], [sflag:$0x2] =	stream.linear.gather [hbm4b:s6+s1], $0x80, $0x38;
	[tilespmem:$0x1B980] =	vst v63  }
0x3f: {  	s7 =	sadd.s32 $0x100, s0;
	s15 =	rddreg [dreg:$0x6]  }
0x40: {  	[tilespmem:s15], [sflag:$0x2] =	stream.linear.gather [hbm4b:s7+s1], $0x80, $0x38;
	[tilespmem:$0x1B980] =	vst v63  }
0x41: {  	s9 =	rddreg [dreg:$0x7];
	s15 =	sadd.s32 $0x180, s0  }
0x42: {  	[tilespmem:s9], [sflag:$0x2] =	stream.linear.gather [hbm4b:s15+s1], $0x80, $0x38;
	[tilespmem:$0x1B980] =	vst v63  }
0x43: {  	s16 =	rddreg [dreg:$0x8];
	s0 =	sadd.s32 $0x200, s0  }
0x44: {  	[tilespmem:s16], [sflag:$0x2] =	stream.linear.gather [hbm4b:s0+s1], $0x80, $0x38;
	[tilespmem:$0x1B980] =	vst v63  }
0x45: {  	s30 =	simm.s32 $0x4028;
	s5 =	rddreg [dreg:$0x9]  }
0x46: {  	[tilespmem:s5], [sflag:$0x2] =	stream.indirect.gather [hbm4b:s2+s24], $0x80, s30, s24, $0xb8;
	[tilespmem:$0x1B980] =	vst v63  }
0x47: {  	s6 =	simm.s32 $0x0;
	_ =	swait.ge [sflag:s26], $0x280  }
0x48: {  	s7 =	simm.s32 $0x100;
	s0 =	smul.u32 $0x1400, s6;
	[sflag:s26] =	ssyncset.done $0x0  }
0x49: {  	s3 =	sand.u32 $0x300, s7;
	[sflag:s26] =	ssyncadd.s32 $0xFFFFFD80  }
0x4a: {  	s0 =	sor.u32 s3, s0;
	_ =	swait.ge [sflag:s26], $0x1400  }
0x4b: {  	s0 =	sshrl.u32 s0, $0x3;
	[sflag:s26] =	ssyncset.done $0x0  }
0x4c: {  	s0 =	sadd.s32 s8, s0;
	[sflag:s26] =	ssyncadd.s32 $0xFFFFEC00  }
0x4d: {  	[tilespmem:s18], [sflag:$0x1] =	stream.linear.gather [hbm4b:s0+s1], $0x80, $0x38;
	[tilespmem:$0x1B980] =	vst v63  }
0x4e: {  	s9 =	sadd.s32 $0x80, s0  }
0x4f: {  	[tilespmem:s20], [sflag:$0x1] =	stream.linear.gather [hbm4b:s9+s1], $0x80, $0x38;
	[tilespmem:$0x1B980] =	vst v63  }
0x50: {  	s15 =	sadd.s32 $0x100, s0  }
0x51: {  	[tilespmem:s21], [sflag:$0x1] =	stream.linear.gather [hbm4b:s15+s1], $0x80, $0x38;
	[tilespmem:$0x1B980] =	vst v63  }
0x52: {  	s16 =	sadd.s32 $0x180, s0  }
0x53: {  	[tilespmem:s22], [sflag:$0x1] =	stream.linear.gather [hbm4b:s16+s1], $0x80, $0x38;
	[tilespmem:$0x1B980] =	vst v63  }
0x54: {  	s0 =	sadd.s32 $0x200, s0  }
0x55: {  	[tilespmem:s23], [sflag:$0x1] =	stream.linear.gather [hbm4b:s0+s1], $0x80, $0x38;
	[tilespmem:$0x1B980] =	vst v63  }
0x56: {  	s5 =	simm.s32 $0x4050  }
0x57: {  	[tilespmem:s25], [sflag:$0x1] =	stream.indirect.gather [hbm4b:s2+s24], $0x80, s5, s24, $0xb8;
	[tilespmem:$0x1B980] =	vst v63  }
0x58: {  	s31 =	simm.s32 $0x4;
	s6 =	simm.s32 $0x0;
	_ =	swait.ge [sflag:s28], $0x280  }
0x59: {  	s7 =	smul.u32 $0x1400, s6;
	s9 =	simm.s32 $0x180;
	[sflag:s28] =	ssyncset.done $0x0  }
0x5a: {  	s15 =	simm.s32 $0x6;
	s16 =	simm.s32 $0x1;
	[sflag:s28] =	ssyncadd.s32 $0xFFFFFD80  }
0x5b: {  	s0 =	simm.s32 $0x200;
	s5 =	sand.u32 $0x380, s9;
	_ =	swait.ge [sflag:s28], $0x1400  }
0x5c: {  	s5 =	sor.u32 s7, s5;
	s3 =	rddreg [dreg:$0x4];
	[sflag:s28] =	ssyncset.done $0x0  }
.LBB2_2:
0x5d: {  	s5 =	sshrl.u32 s5, $0x3  }
0x5e: {  	[sflag:s28] =	ssyncadd.s32 $0xFFFFEC00;
	s5 =	sadd.s32 s8, s5  }
0x5f: {  	[tilespmem:s3], [sflag:$0x2] =	stream.linear.gather [hbm4b:s5+s1], $0x80, $0x38;
	[tilespmem:$0x1B980] =	vst v63  }
0x60: {  	s7 =	rddreg [dreg:$0x5];
	s3 =	sadd.s32 $0x80, s5  }
0x61: {  	[tilespmem:s7], [sflag:$0x2] =	stream.linear.gather [hbm4b:s3+s1], $0x80, $0x38;
	[tilespmem:$0x1B980] =	vst v63  }
0x62: {  	s9 =	rddreg [dreg:$0x6];
	s3 =	sadd.s32 $0x100, s5  }
0x63: {  	[tilespmem:s9], [sflag:$0x2] =	stream.linear.gather [hbm4b:s3+s1], $0x80, $0x38;
	[tilespmem:$0x1B980] =	vst v63  }
0x64: {  	s7 =	rddreg [dreg:$0x7];
	s3 =	sadd.s32 $0x180, s5  }
0x65: {  	[tilespmem:s7], [sflag:$0x2] =	stream.linear.gather [hbm4b:s3+s1], $0x80, $0x38;
	[tilespmem:$0x1B980] =	vst v63  }
0x66: {  	s9 =	rddreg [dreg:$0x8];
	s5 =	sadd.s32 $0x200, s5  }
0x67: {  	[tilespmem:s9], [sflag:$0x2] =	stream.linear.gather [hbm4b:s5+s1], $0x80, $0x38;
	[tilespmem:$0x1B980] =	vst v63  }
0x68: {  	s30 =	sadd.s32 $0x50, s30;
	s7 =	rddreg [dreg:$0x9]  }
0x69: {  	[tilespmem:s7], [sflag:$0x2] =	stream.indirect.gather [hbm4b:s2+s24], $0x80, s30, s24, $0xb8;
	[tilespmem:$0x1B980] =	vst v63  }
0x6a: {  	s7 =	sshrl.u32 s31, $0x3;
	_ =	swait.ge [sflag:s26], $0x280  }
0x6b: {  	s3 =	smul.u32 $0x1400, s7;
	[sflag:s26] =	ssyncset.done $0x0  }
0x6c: {  	s9 =	sand.u32 $0x300, s0;
	[sflag:s26] =	ssyncadd.s32 $0xFFFFFD80  }
0x6d: {  	s3 =	sor.u32 s9, s3;
	_ =	swait.ge [sflag:s26], $0x1400  }
0x6e: {  	s3 =	sshrl.u32 s3, $0x3;
	[sflag:s26] =	ssyncset.done $0x0  }
0x6f: {  	s6 =	smov.u32 s15;
	s3 =	sadd.s32 s8, s3;
	[sflag:s26] =	ssyncadd.s32 $0xFFFFEC00  }
0x70: {  	[tilespmem:s18], [sflag:$0x1] =	stream.linear.gather [hbm4b:s3+s1], $0x80, $0x38;
	[tilespmem:$0x1B980] =	vst v63  }
0x71: {  	s31 =	smov.u32 s6;
	s6 =	sadd.s32 $0x80, s3  }
0x72: {  	[tilespmem:s20], [sflag:$0x1] =	stream.linear.gather [hbm4b:s6+s1], $0x80, $0x38;
	[tilespmem:$0x1B980] =	vst v63  }
0x73: {  	s7 =	sadd.s32 $0x100, s3  }
0x74: {  	[tilespmem:s21], [sflag:$0x1] =	stream.linear.gather [hbm4b:s7+s1], $0x80, $0x38;
	[tilespmem:$0x1B980] =	vst v63  }
0x75: {  	s9 =	sadd.s32 $0x180, s3  }
0x76: {  	[tilespmem:s22], [sflag:$0x1] =	stream.linear.gather [hbm4b:s9+s1], $0x80, $0x38;
	[tilespmem:$0x1B980] =	vst v63  }
0x77: {  	s3 =	sadd.s32 $0x200, s3  }
0x78: {  	[tilespmem:s23], [sflag:$0x1] =	stream.linear.gather [hbm4b:s3+s1], $0x80, $0x38;
	[tilespmem:$0x1B980] =	vst v63  }
0x79: {  	p1 =	sne.s32 s15, $0x7C;
	s6 =	sadd.s32 $0x28, s30  }
0x7a: {  	[tilespmem:s25], [sflag:$0x1] =	stream.indirect.gather [hbm4b:s2+s24], $0x80, s6, s24, $0xb8;
	[tilespmem:$0x1B980] =	vst v63  }
.Ltmp0:
0x7b: {  	s16 =	sadd.s32 $0x1, s16;
	_ =	swait.ge [sflag:s28], $0x280;
	(pc) =	sbr.rel @p1 .LBB2_2-.Ltmp0, $4  }
0x7c: {  	s0 =	sadd.s32 $0x100, s0;
	s7 =	sshrl.u32 s16, $0x2;
	[sflag:s28] =	ssyncset.done $0x0  }
0x7d: {  	s9 =	sadd.s32 $0xFFFFFF80, s0;
	s3 =	smul.u32 $0x1400, s7;
	[sflag:s28] =	ssyncadd.s32 $0xFFFFFD80  }
0x7e: {  	s15 =	sadd.s32 $0x2, s15;
	s5 =	sand.u32 $0x380, s9;
	_ =	swait.ge [sflag:s28], $0x1400  }
0x7f: {  	s5 =	sor.u32 s3, s5;
	s3 =	rddreg [dreg:$0x4];
	[sflag:s28] =	ssyncset.done $0x0  }
0x80: {  	s5 =	sshrl.u32 s5, $0x3  }
0x81: {  	[sflag:s28] =	ssyncadd.s32 $0xFFFFEC00;
	s5 =	sadd.s32 s8, s5  }
0x82: {  	[tilespmem:s3], [sflag:$0x2] =	stream.linear.gather [hbm4b:s5+s1], $0x80, $0x38;
	[tilespmem:$0x1B980] =	vst v63  }
0x83: {  	s6 =	rddreg [dreg:$0x5];
	s9 =	sadd.s32 $0x80, s5  }
0x84: {  	[tilespmem:s6], [sflag:$0x2] =	stream.linear.gather [hbm4b:s9+s1], $0x80, $0x38;
	[tilespmem:$0x1B980] =	vst v63  }
0x85: {  	s7 =	rddreg [dreg:$0x6];
	s15 =	sadd.s32 $0x100, s5  }
0x86: {  	[tilespmem:s7], [sflag:$0x2] =	stream.linear.gather [hbm4b:s15+s1], $0x80, $0x38;
	[tilespmem:$0x1B980] =	vst v63  }
0x87: {  	s16 =	rddreg [dreg:$0x7];
	s7 =	sadd.s32 $0x180, s5  }
0x88: {  	[tilespmem:s16], [sflag:$0x2] =	stream.linear.gather [hbm4b:s7+s1], $0x80, $0x38;
	[tilespmem:$0x1B980] =	vst v63  }
0x89: {  	s9 =	rddreg [dreg:$0x8];
	s15 =	sadd.s32 $0x200, s5  }
0x8a: {  	[tilespmem:s9], [sflag:$0x2] =	stream.linear.gather [hbm4b:s15+s1], $0x80, $0x38;
	[tilespmem:$0x1B980] =	vst v63  }
0x8b: {  	s6 =	sadd.s32 $0x50, s30;
	s16 =	rddreg [dreg:$0x9]  }
0x8c: {  	[tilespmem:s16], [sflag:$0x2] =	stream.indirect.gather [hbm4b:s2+s24], $0x80, s6, s24, $0xb8;
	[tilespmem:$0x1B980] =	vst v63  }
0x8d: {  	s7 =	sshrl.u32 s31, $0x3;
	_ =	swait.ge [sflag:s26], $0x280  }
0x8e: {  	s5 =	smul.u32 $0x1400, s7;
	[sflag:s26] =	ssyncset.done $0x0  }
0x8f: {  	s0 =	sand.u32 $0x300, s0;
	[sflag:s26] =	ssyncadd.s32 $0xFFFFFD80  }
0x90: {  	s0 =	sor.u32 s0, s5;
	_ =	swait.ge [sflag:s26], $0x1400  }
0x91: {  	s0 =	sshrl.u32 s0, $0x3;
	[sflag:s26] =	ssyncset.done $0x0  }
0x92: {  	s0 =	sadd.s32 s8, s0;
	[sflag:s26] =	ssyncadd.s32 $0xFFFFEC00  }
0x93: {  	[tilespmem:s18], [sflag:$0x1] =	stream.linear.gather [hbm4b:s0+s1], $0x80, $0x38;
	[tilespmem:$0x1B980] =	vst v63  }
0x94: {  	s9 =	sadd.s32 $0x80, s0  }
0x95: {  	[tilespmem:s20], [sflag:$0x1] =	stream.linear.gather [hbm4b:s9+s1], $0x80, $0x38;
	[tilespmem:$0x1B980] =	vst v63  }
0x96: {  	s15 =	sadd.s32 $0x100, s0  }
0x97: {  	[tilespmem:s21], [sflag:$0x1] =	stream.linear.gather [hbm4b:s15+s1], $0x80, $0x38;
	[tilespmem:$0x1B980] =	vst v63  }
0x98: {  	s16 =	sadd.s32 $0x180, s0  }
0x99: {  	[tilespmem:s22], [sflag:$0x1] =	stream.linear.gather [hbm4b:s16+s1], $0x80, $0x38;
	[tilespmem:$0x1B980] =	vst v63  }
0x9a: {  	s0 =	sadd.s32 $0x200, s0  }
0x9b: {  	[tilespmem:s23], [sflag:$0x1] =	stream.linear.gather [hbm4b:s0+s1], $0x80, $0x38;
	[tilespmem:$0x1B980] =	vst v63  }
0x9c: {  	s30 =	sadd.s32 $0x28, s6  }
0x9d: {  	[tilespmem:s25], [sflag:$0x1] =	stream.indirect.gather [hbm4b:s2+s24], $0x80, s30, s24, $0xb8;
	[tilespmem:$0x1B980] =	vst v63  }
0x9e: {  	_ =	swait.ge [sflag:s28], $0x280  }
0x9f: {  	[sflag:s28] =	ssyncset.done $0x0  }
0xa0: {  	[sflag:s28] =	ssyncadd.s32 $0xFFFFFD80  }
0xa1: {  	_ =	swait.ge [sflag:s28], $0x1400  }
0xa2: {  	[sflag:s28] =	ssyncset.done $0x0  }
0xa3: {  	[sflag:s28] =	ssyncadd.s32 $0xFFFFEC00  }
0xa4: {  	_ =	swait.ge [sflag:s26], $0x280  }
0xa5: {  	[sflag:s26] =	ssyncset.done $0x0  }
0xa6: {  	[sflag:s26] =	ssyncadd.s32 $0xFFFFFD80  }
0xa7: {  	_ =	swait.ge [sflag:s26], $0x1400  }
0xa8: {  	[sflag:s26] =	ssyncset.done $0x0  }
0xa9: {  	[sflag:s26] =	ssyncadd.s32 $0xFFFFEC00  }
0xaa: {  	[bflag:$0x0] =	sbarrier.arrive $0xFFFF  }
0xab: {  	s31 =	rddreg [dreg:$0xe]  }
0xac: {  	[hbm:s31], [sflag:s4] =	dma.local [spmem:s12], $0x2700  }
0xad: {  	s29 =	sadd.s32 $0x1, s29;
	_ =	swait.ge [sflag:s13], $0x2700  }
0xae: {  	p1 =	sne.s32 s29, s11;
	[sflag:s13] =	ssyncset.done $0x0  }
.Ltmp1:
0xaf: {  	s0 =	simm.s32 @!p0 $0x3;
	[sflag:s13] =	ssyncadd.s32 $0xFFFFD900;
	(pc) =	sbr.rel @p1 .LBB2_1-.Ltmp1, $4  }
0xb0: {  	[hbm:s10], [sflag:s4] =	dma.local @!p0 [spmem:s14], $0x100  }
0xb1: {  	_ =	swait.ge @!p0 [sflag:s0], $0x100  }
0xb2: {  	[sflag:s0] =	ssyncset.done @!p0 $0x0  }
0xb3: {  	[sflag:s0] =	ssyncadd.s32 @!p0 $0xFFFFFF00  }
0xb4: {  	_ =	sfence.sel $0x180000  }
0xb5: {  	[bflag:$0x0] =	sbarrier.arrive $0xFFFF  }
0xb6: {  	_ =	strace $0x9000004D  }
0xb7: {  	[bflag:$0x2] =	sbarrier.arrive $0xFFFF  }
0xb8: {  	s0 =	rddreg [dreg:$0x3]  }
0xb9: {  	s0 =	sadd.s32 @!p0 $0x100000, s0  }
0xba: {  	[sflag:s0] =	ssyncadd.tile.s32 @!p0 $0x1;
	_ =	shalt  }
.Lfunc_end2:
_tile_overlayer_lowered:
.L_overlay_start_2:
0xbb: {  	(tag) =	ssettag $0x2  }
0xbc: {  	s0 =	rddreg [dreg:$0x0];
	s2 =	stileid.u32  }
0xbd: {  	s1 =	rddreg [dreg:$0x1];
	p0 =	sne.s32 s2, $0x0  }
0xbe: {  	s3 =	rddreg [dreg:$0x2];
	[bflag:$0x3] =	sbarrier.arrive $0xFFFF;
	s2 =	simm.s32 @!p0 $0x1C03  }
0xbf: {  	[timem:s3], [sflag:s2] =	dma.local @!p0 [hbm:s0], s1  }
0xc0: {  	s0 =	simm.s32 @!p0 $0x3  }
0xc1: {  	_ =	swait.ge @!p0 [sflag:s0], s1  }
0xc2: {  	s1 =	ssub.s32 @!p0 $0x0, s1;
	[sflag:s0] =	ssyncset.done @!p0 $0x0  }
0xc3: {  	[sflag:s0] =	ssyncadd.s32 @!p0 s1  }
0xc4: {  	[bflag:$0x3] =	sbarrier.arrive $0xFFFF  }
0xc5: {  	_ =	shalt  }

// kernel: kernel.8.cloned.1.call-start
scs
__scs_entry_jumppad:
0x0: {  	(pc) =	sbr.rel $0x88, $3  }
0x1: {  	(tag) =	ssettag $0x0;
	lr =	simm.s32 $0x1  }
0x2: {  	[smem:$0x3F9A] =	sst lr;
	_ =	strace $0xD0000000  }
0x3: {  	_ = 	snop  }
0x4: {  	_ = 	snop  }
0x5: {  	_ = 	snop  }
0x6: {  	_ = 	snop  }
0x7: {  	_ = 	snop  }
__scs_overlays_trampoline_lowered:
0x8: {  	[smem:$0x3FA9] =	sst s0  }
0x9: {  	[smem:$0x3FAA] =	sst s1  }
0xa: {  	[smem:$0x3FAB] =	sst s2  }
0xb: {  	[smem:$0x3FAC] =	sst s3  }
0xc: {  	[smem:$0x3FAD] =	sst s4  }
0xd: {  	[smem:$0x3FAE] =	sst s5  }
0xe: {  	[smem:$0x3FAF] =	sst s6  }
0xf: {  	[smem:$0x3FB0] =	sst s7  }
0x10: {  	[smem:$0x3FB1] =	sst s8  }
0x11: {  	[smem:$0x3FB2] =	sst s9;
	s0 =	simm.s32 @!p0 $0x0  }
0x12: {  	s1 =	sld [smem:$0x3F98];
	s0 =	simm.s32 @p0 $0x1  }
0x13: {  	[smem:$0x3FB3] =	sst s0;
	s0 =	simm.s32 @!p1 $0x0  }
0x14: {  	s2 =	sld [smem:$0x3F97];
	s0 =	simm.s32 @p1 $0x1  }
0x15: {  	[smem:$0x3FB4] =	sst s0;
	s0 =	simm.s32 @!p2 $0x0  }
0x16: {  	s3 =	sld [smem:$0x3FDB];
	s0 =	simm.s32 @p2 $0x1  }
0x17: {  	s4 =	simm.s32 $0x1BF5;
	[smem:$0x3FB6] =	sst s0  }
0x18: {  	s0 =	sld [smem:$0x3F99];
	_ =	swait.ge [sflag:s4], $0x0  }
0x19: {  	s7 =	sld [smem:$0x3F9A]  }
0x1a: {  	s8 =	sadd.s32 $0xFFFFE003, lr  }
0x1b: {  	s9 =	sadd.s32 $0xFFFFFEF7, lr;
	s5 =	simm.s32 $0xFFFFFFFF;
	p2 =	slt.u32 s8, $0xFFFFF086  }
0x1c: {  	p1 =	slt.u32 s9, $0xF7A;
	s5 =	simm.s32 @!p2 $0x0  }
0x1d: {  	s5 =	simm.s32 @p1 $0x1;
	p0 =	seq.s32 s7, s2  }
0x1e: {  	s7 =	smul.u32 @!p0 $0xF7A, s2;
	p2 =	seq.s32 @!p0 s5, $0x0  }
0x1f: {  	s9 =	smul.u32 $0xF7A, s1;
	s8 =	simm.s32 @!p0 $0x1BF5;
	p2 =	por !p2, p0  }
0x20: {  	[sflag:s8] =	ssyncset.s32 @!p0 $0xFFFFF086;
	s6 =	sadd.s32 @!p0 s3, s7;
	s7 =	simm.s32 @!p0 $0x108  }
0x21: {  	s3 =	sadd.s32 s3, s9;
	s6 =	sadd.s32 @!p0 $0x88, s6;
	s7 =	simm.s32 @p2 $0x1082  }
0x22: {  	[simem:s7], [sflag:s8] =	dma.local @!p0 [hbm:s6], $0xF7A  }
0x23: {  	s9 =	sor.u32 $0xD0000000, s2;
	s6 =	simm.s32 $0x108;
	_ =	swait.ge @!p0 [sflag:s8], $0x0  }
0x24: {  	s3 =	sadd.s32 $0x88, s3;
	s6 =	simm.s32 @!p1 $0x1082;
	[sflag:s4] =	ssyncset.s32 $0xFFFFF086  }
0x25: {  	[simem:s6], [sflag:s4] =	dma.local [hbm:s3], $0xF7A  }
0x26: {  	[smem:$0x3F9A] =	sst s1;
	(tag) =	ssettag s2;
	_ =	strace s9  }
0x27: {  	s1 =	sld [smem:$0x3FAA]  }
0x28: {  	s2 =	sld [smem:$0x3FAB]  }
0x29: {  	s4 =	sld [smem:$0x3FAD]  }
0x2a: {  	p0 =	seq.s32 s5, $0x0;
	s5 =	sld [smem:$0x3FAE]  }
0x2b: {  	s6 =	sld [smem:$0x3FAF]  }
0x2c: {  	s7 =	sld [smem:$0x3FB0]  }
0x2d: {  	s3 =	simm.s32 $0x108;
	s8 =	sld [smem:$0x3FB1]  }
0x2e: {  	s3 =	simm.s32 @!p0 $0x1082;
	s9 =	sld [smem:$0x3FB2]  }
0x2f: {  	lr =	sadd.s32 s0, s3;
	s0 =	sld [smem:$0x3FA9]  }
0x30: {  	s3 =	sld [smem:$0x3FAC]  }
0x31: {  	[smem:$0x3FB5] =	sst s10  }
0x32: {  	s10 =	sld [smem:$0x3FB3];
	_ =	sdelay $0x3  }
0x33: {  	p0 =	seq.s32 s10, $0x1;
	s10 =	sld [smem:$0x3FB5];
	_ =	sdelay $0x3  }
0x34: {  	[smem:$0x3FB5] =	sst s10  }
0x35: {  	s10 =	sld [smem:$0x3FB4];
	_ =	sdelay $0x3  }
0x36: {  	p1 =	seq.s32 s10, $0x1;
	s10 =	sld [smem:$0x3FB5];
	_ =	sdelay $0x3  }
0x37: {  	[smem:$0x3FB5] =	sst s10  }
0x38: {  	s10 =	sld [smem:$0x3FB6]  }
0x39: {  	_ = 	snop;
	(pc) =	sbr.ind lr, $3  }
0x3a: {  	_ = 	snop  }
0x3b: {  	_ = 	snop  }
0x3c: {  	p2 =	seq.s32 s10, $0x1;
	s10 =	sld [smem:$0x3FB5]  }
0x3d: {  	_ =	shalt  }
0x3e: {  	_ =	shalt  }
0x3f: {  	_ =	shalt  }
0x40: {  	_ =	shalt  }
0x41: {  	_ =	shalt  }
0x42: {  	_ =	shalt  }
0x43: {  	_ =	shalt  }
0x44: {  	_ =	shalt  }
0x45: {  	_ =	shalt  }
0x46: {  	_ =	shalt  }
0x47: {  	_ =	shalt  }
0x48: {  	_ =	shalt  }
0x49: {  	_ =	shalt  }
0x4a: {  	_ =	shalt  }
0x4b: {  	_ =	shalt  }
0x4c: {  	_ =	shalt  }
0x4d: {  	_ =	shalt  }
0x4e: {  	_ =	shalt  }
0x4f: {  	_ =	shalt  }
0x50: {  	_ =	shalt  }
0x51: {  	_ =	shalt  }
0x52: {  	_ =	shalt  }
0x53: {  	_ =	shalt  }
0x54: {  	_ =	shalt  }
0x55: {  	_ =	shalt  }
0x56: {  	_ =	shalt  }
0x57: {  	_ =	shalt  }
0x58: {  	_ =	shalt  }
0x59: {  	_ =	shalt  }
0x5a: {  	_ =	shalt  }
0x5b: {  	_ =	shalt  }
0x5c: {  	_ =	shalt  }
0x5d: {  	_ =	shalt  }
0x5e: {  	_ =	shalt  }
0x5f: {  	_ =	shalt  }
0x60: {  	_ =	shalt  }
0x61: {  	_ =	shalt  }
0x62: {  	_ =	shalt  }
0x63: {  	_ =	shalt  }
0x64: {  	_ =	shalt  }
0x65: {  	_ =	shalt  }
0x66: {  	_ =	shalt  }
0x67: {  	_ =	shalt  }
0x68: {  	_ =	shalt  }
0x69: {  	_ =	shalt  }
0x6a: {  	_ =	shalt  }
0x6b: {  	_ =	shalt  }
0x6c: {  	_ =	shalt  }
0x6d: {  	_ =	shalt  }
0x6e: {  	_ =	shalt  }
0x6f: {  	_ =	shalt  }
0x70: {  	_ =	shalt  }
0x71: {  	_ =	shalt  }
0x72: {  	_ =	shalt  }
0x73: {  	_ =	shalt  }
0x74: {  	_ =	shalt  }
0x75: {  	_ =	shalt  }
0x76: {  	_ =	shalt  }
0x77: {  	_ =	shalt  }
0x78: {  	_ =	shalt  }
0x79: {  	_ =	shalt  }
0x7a: {  	_ =	shalt  }
0x7b: {  	_ =	shalt  }
0x7c: {  	_ =	shalt  }
0x7d: {  	_ =	shalt  }
0x7e: {  	_ =	shalt  }
0x7f: {  	_ =	shalt  }
0x80: {  	_ =	shalt  }
0x81: {  	_ =	shalt  }
0x82: {  	_ =	shalt  }
0x83: {  	_ =	shalt  }
0x84: {  	_ =	shalt  }
0x85: {  	_ =	shalt  }
0x86: {  	_ =	shalt  }
0x87: {  	_ =	shalt  }
.Lfunc_end0:
.L_simem_size_0:
called_computation_lowered:
.L_overlay_start_0:
0x88: {  	s2 =	sld [smem:$0x3FD9]  }
0x89: {  	s3 =	sld [smem:$0x3FFE];
	_ =	sdelay $0x1  }
0x8a: {  	s1 =	srdreg.scid  }
0x8b: {  	s0 =	sand.u32 $0x1, s1  }
0x8c: {  	s17 =	sshll.u32 s0, $0xA;
	s2 =	sadd.s32 s3, s2  }
0x8d: {  	s2 =	sadd.s32 s2, s17  }
0x8e: {  	[smem:$0x3FC1] =	sst s2  }
0x8f: {  	_ = 	snop  }
0x90: {  	s2 =	sld [smem:$0x3FD0];
	(tm) =	ssettm $0x1  }
0x91: {  	s18 =	sld [smem:$0x3FFB];
	_ =	sdelay $0x3  }
0x92: {  	_ =	strace s18  }
0x93: {  	s3 =	sld [smem:$0x3FFC];
	_ =	sdelay $0x3  }
0x94: {  	_ =	strace s3  }
0x95: {  	s3 =	sld [smem:$0x3FFD];
	_ =	sdelay $0x3  }
0x96: {  	_ =	strace s3  }
0x97: {  	_ =	strace $0x8FFFFFFF  }
0x98: {  	s19 =	sld [smem:$0x3FDB];
	_ =	sdelay $0x1  }
0x99: {  	s4 =	simm.s32 $_scs_section_size  }
0x9a: {  	s5 =	simm.s32 $_size__tile_overlayer_lowered;
	s6 =	simm.s32 $_tile_overlayer_lowered  }
0x9b: {  	s22 =	simm.s32 $0x1BFF;
	s21 =	sshll.u32 s6, $0x1;
	s3 =	sadd.s32 s4, s19  }
0x9c: {  	s7 =	simm.s32 $0x0;
	s20 =	sshll.u32 s5, $0x1;
	s5 =	sadd.s32 s21, s3  }
0x9d: {  	[timem:s7], [sflag:s22] =	dma.local [hbm:s5], s20  }
0x9e: {  	_ =	swait.ge [sflag:s22], s20  }
0x9f: {  	s4 =	ssub.s32 $0x0, s20;
	[sflag:s22] =	ssyncset.done $0x0  }
0xa0: {  	[sflag:s22] =	ssyncadd.s32 s4;
	_ =	sdelay $0x1  }
0xa1: {  	s23 =	simm.s32 $0x1B8B  }
0xa2: {  	_ =	swait.ge [sflag:s23], $0x1  }
0xa3: {  	[sflag:s23] =	ssyncset.done $0x0  }
0xa4: {  	s25 =	simm.s32 $0x1B8E;
	s24 =	sld [smem:$0x3FFE];
	[sflag:s23] =	ssyncadd.s32 $0xFFFFFFFF  }
0xa5: {  	s26 =	simm.s32 $execute0_lowered;
	[smem:$0x3FD2] =	sst s25  }
0xa6: {  	s5 =	sshll.u32 s26, $0x1;
	_ =	strace $0x80000046;
	[dreg:$0x1] =	wrdreg $0xFFFFFFFF  }
0xa7: {  	s28 =	simm.s32 $_size_execute0_lowered;
	s3 =	sadd.s32 s3, s5;
	[dreg:$0x0] =	wrdreg $0x0  }
0xa8: {  	s5 =	sshll.u32 s28, $0x1;
	[dreg:$0x2] =	wrdreg s3  }
0xa9: {  	[dreg:$0x3] =	wrdreg s5  }
0xaa: {  	[dreg:$0x4] =	wrdreg $0xC0  }
0xab: {  	_ =	task [dreg:s7], $0x5FFFF  }
0xac: {  	[dreg:$0x1] =	wrdreg $0xFFFFFFFF  }
0xad: {  	[dreg:$0x0] =	wrdreg $0x60  }
0xae: {  	[dreg:$0x2] =	wrdreg s24  }
0xaf: {  	[dreg:$0x3] =	wrdreg s2  }
0xb0: {  	[dreg:$0x4] =	wrdreg $0x40800  }
0xb1: {  	[dreg:$0x5] =	wrdreg $0x9  }
0xb2: {  	_ =	task.clear_ibuf [dreg:s7], $0x6FFFF;
	_ =	strace $0x90000046  }
0xb3: {  	s29 =	simm.s32 $0x9;
	_ =	strace $0x80000048  }
0xb4: {  	_ =	swait.ge [sflag:s29], $0x1  }
0xb5: {  	[sflag:s29] =	ssyncadd.s32 $0xFFFFFFFF  }
0xb6: {  	_ =	strace $0x90000048  }
0xb7: {  	_ =	sfence  }
0xb8: {  	s30 =	sld [smem:$0x0];
	_ =	sdelay $0x2  }
0xb9: {  	s31 =	sshll.u32 s1, $0xD;
	s1 =	sshrl.u32 s1, $0x2  }
0xba: {  	s3 =	sand.u32 $0x4000, s31;
	s1 =	sadd.s32 s1, s30  }
0xbb: {  	s0 =	sor.u32 s3, s0;
	s1 =	sshll.u32 s1, $0x11  }
0xbc: {  	s0 =	sor.u32 s1, s0  }
0xbd: {  	s0 =	sadd.s32 $0x8F2B, s0  }
0xbe: {  	[sflag:s0] =	ssyncadd.remote.s32 $0x1  }
0xbf: {  	_ =	sfence.sel $0xFFFF  }
0xc0: {  	[dreg:$0x0] =	wrdreg $0xFFFFFFFF;
	(pc) =	sbr.abs _section_cstart, $3  }
0xc1: {  	[dreg:$0x1] =	wrdreg $0xFFFFFFFF  }
0xc2: {  	_ =	task.clear_ibuf [dreg:s7], $0x2FFFF;
	_ =	strace $0x9FFFFFFF  }
0xc3: {  	(tm) =	ssettm $0x7FFFFFFF  }
tec
execute0_lowered:
.L_overlay_start_1:
0x0: {  	(tag) =	ssettag $0x1  }
0x1: {  	s3 =	rddreg [dreg:$0x0]  }
0x2: {  	s5 =	rddreg [dreg:$0x1]  }
0x3: {  	s1 =	rddreg [dreg:$0x2]  }
0x4: {  	s0 =	rddreg [dreg:$0x3]  }
0x5: {  	s2 =	simm.s32 $0x0;
	s6 =	stileid.u32;
	s4 =	srdreg.scid  }
0x6: {  	s11 =	simm.s32 $0x0;
	[smem:$0x7FF] =	sst s2;
	s7 =	sshll.u32 s6, $0xB  }
0x7: {  	s4 =	sand.u32 $0x1, s4;
	p0 =	sne.s32 s6, $0x0;
	_ =	strace $0x80000047  }
0x8: {  	s7 =	sadd.s32 s7, s3;
	s8 =	ssub.s32 $0x2, s4;
	s3 =	sadd.s32 $0x11400, s3  }
0x9: {  	s10 =	sshll.u32 s4, $0xF;
	s31 =	sshll.u32 s4, $0x4;
	s9 =	sshrl.u32 s8, $0x1  }
0xa: {  	s7 =	sadd.s32 s10, s7;
	s5 =	sadd.s32 s5, s31;
	s10 =	simm.s32 $0x4000  }
0xb: {  	s8 =	ssub.s32 s8, s9;
	s4 =	sadd.s32 $0x1400, s7;
	s7 =	sshrl.u32 @!p0 s1, $0x3  }
0xc: {  	v0 =	vimm.f32 $1.000000000e+00;
	s9 =	simm.s32 $0x28;
	s6 =	smax.u32 s8, $0x1;
	s8 =	simm.s32 $0x1  }
.LBB2_1:
0xd: {  	[tilespmem:$0x4000] =	vst v0  }
0xe: {  	[tilespmem:$0x4010] =	vst v0  }
0xf: {  	[tilespmem:$0x4020] =	vst v0;
	s12 =	simm.s32 @!p0 $0x1C01  }
0x10: {  	[spmem:s7], [sflag:s12] =	dma.local @!p0 [hbm:s3], $0x4F0  }
0x11: {  	s12 =	simm.s32 @!p0 $0x1  }
0x12: {  	_ =	swait.ge @!p0 [sflag:s12], $0x4F0  }
0x13: {  	[sflag:s12] =	ssyncset.done @!p0 $0x0  }
0x14: {  	[sflag:s12] =	ssyncadd.s32 @!p0 $0xFFFFFB10  }
0x15: {  	[bflag:$0x0] =	sbarrier.arrive $0xFFFF  }
0x16: {  	[tilespmem:s2], [sflag:$0x1] =	stream.linear.gather [hbm4b:s4+s2], $0x3E80, $0x38;
	[tilespmem:$0x42F8] =	vst v63  }
0x17: {  	_ =	swait.ge [sflag:s8], $0x3E80  }
0x18: {  	[sflag:s8] =	ssyncset.done $0x0  }
0x19: {  	s31 =	simm.s32 $0x0;
	[sflag:s8] =	ssyncadd.s32 $0xFFFFC180  }
0x1a: {  	[spmem:s1] =	stream.indirect.scatter.add.f32 [tilespmem:s10], [sflag:$0x1], $0x1, s31, s9, $0xb8;
	[tilespmem:$0x42F8] =	vst v63  }
0x1b: {  	_ =	swait.ge [sflag:s8], $0x28  }
0x1c: {  	s12 =	simm.s32 $0x200;
	[sflag:s8] =	ssyncset.done $0x0  }
.LBB2_2:
0x1d: {  	s13 =	sshra.s32 s12, $0x2;
	[sflag:s8] =	ssyncadd.s32 $0xFFFFFFD8;
	p1 =	sne.s32 s12, $0xF800  }
0x1e: {  	[spmem:s1] =	stream.indirect.scatter.add.f32 [tilespmem:s10], [sflag:$0x1], $0x1, s13, s9, $0xb8;
	[tilespmem:$0x42F8] =	vst v63  }
.Ltmp0:
0x1f: {  	_ = 	snop;
	(pc) =	sbr.rel @p1 .LBB2_2-.Ltmp0, $4  }
0x20: {  	_ = 	snop  }
0x21: {  	s12 =	sadd.s32 $0x200, s12  }
0x22: {  	_ =	swait.ge [sflag:s8], $0x28  }
0x23: {  	[sflag:s8] =	ssyncset.done $0x0  }
0x24: {  	[sflag:s8] =	ssyncadd.s32 $0xFFFFFFD8;
	s12 =	simm.s32 @!p0 $0x1;
	s11 =	sadd.s32 $0x1, s11  }
0x25: {  	s13 =	simm.s32 @!p0 $0x20;
	s14 =	simm.s32 @!p0 $0x10;
	p1 =	sne.s32 s11, s6  }
.Ltmp1:
0x26: {  	s15 =	simm.s32 @!p0 $0x1C01;
	[bflag:$0x0] =	sbarrier.arrive $0xFFFF;
	(pc) =	sbr.rel @p1 .LBB2_1-.Ltmp1, $4  }
0x27: {  	[hbm:s5@s13], [sflag:s15] =	dma.strided @!p0 [spmem:s7@s14], $0x4F0, s12, $0x10   }
0x28: {  	_ =	swait.ge @!p0 [sflag:s12], $0x4F0  }
0x29: {  	[sflag:s12] =	ssyncset.done @!p0 $0x0  }
0x2a: {  	[sflag:s12] =	ssyncadd.s32 @!p0 $0xFFFFFB10  }
0x2b: {  	_ =	sfence.sel $0x180000  }
0x2c: {  	[bflag:$0x0] =	sbarrier.arrive $0xFFFF  }
0x2d: {  	_ =	strace $0x90000047  }
0x2e: {  	s0 =	sadd.s32 @!p0 $0x100000, s0;
	[bflag:$0x2] =	sbarrier.arrive $0xFFFF  }
0x2f: {  	[sflag:s0] =	ssyncadd.tile.s32 @!p0 $0x1;
	_ =	shalt  }
.Lfunc_end2:
_tile_overlayer_lowered:
.L_overlay_start_2:
0x30: {  	(tag) =	ssettag $0x2  }
0x31: {  	s0 =	rddreg [dreg:$0x0];
	s2 =	stileid.u32  }
0x32: {  	s1 =	rddreg [dreg:$0x1];
	p0 =	sne.s32 s2, $0x0  }
0x33: {  	s3 =	rddreg [dreg:$0x2];
	[bflag:$0x3] =	sbarrier.arrive $0xFFFF;
	s2 =	simm.s32 @!p0 $0x1C01  }
0x34: {  	[timem:s3], [sflag:s2] =	dma.local @!p0 [hbm:s0], s1  }
0x35: {  	s0 =	simm.s32 @!p0 $0x1  }
0x36: {  	_ =	swait.ge @!p0 [sflag:s0], s1  }
0x37: {  	s1 =	ssub.s32 @!p0 $0x0, s1;
	[sflag:s0] =	ssyncset.done @!p0 $0x0  }
0x38: {  	[sflag:s0] =	ssyncadd.s32 @!p0 s1  }
0x39: {  	[bflag:$0x3] =	sbarrier.arrive $0xFFFF  }
0x3a: {  	_ =	shalt  }

</sc_bundles>
